<compile_context>
chip_gen: v7x
topology: tpu7x:2x2x1
jax: 0.10.2.dev20260603
libtpu: 0.0.44.dev20260713+nightly
codegen_flags: <defaults>
</compile_context>

<pallas_src>
import functools

import jax
import jax.numpy as jnp
from jax import lax
from jax.experimental import pallas as pl
from jax.experimental.pallas import tpu as pltpu
from jax.experimental.pallas import tpu_sc as plsc

N = 10000
E = 320000
D = 128
EXT = 16
OUT = 128

_NC = 2
_NS = 16
_NW = _NC * _NS
_EPW = E // _NW
_C = 80
_NCHUNK = _EPW // _C
_NBUF = 5
_NGRP = _NCHUNK // _NBUF
_W = OUT // 2
_P = 3



def _prep_body(x_ref, w1a_ref, w1c_ref, w2a_ref, w1b_ref,
               psrc_ref, pdst_ref, m_ref):
    w2a = w2a_ref[...]
    xa = jnp.dot(x_ref[...], w1a_ref[...], preferred_element_type=jnp.float32)
    psrc_ref[...] = jnp.dot(xa, w2a,
                            preferred_element_type=jnp.float32).astype(jnp.bfloat16)
    xc = jnp.dot(x_ref[...], w1c_ref[...], preferred_element_type=jnp.float32)
    pdst_ref[...] = jnp.dot(xc, w2a,
                            preferred_element_type=jnp.float32).astype(jnp.bfloat16)

    @pl.when(pl.program_id(0) == 0)
    def _():
        m_ref[...] = jnp.dot(w1b_ref[...], w2a, preferred_element_type=jnp.float32)


def _prep(x, w1a_t, w1c_t, w2a_t, w1b_t):
    bn = 2000
    return pl.pallas_call(
        _prep_body,
        grid=(N // bn,),
        in_specs=[
            pl.BlockSpec((bn, D), lambda i: (i, 0)),
            pl.BlockSpec((D, D), lambda i: (0, 0)),
            pl.BlockSpec((D, D), lambda i: (0, 0)),
            pl.BlockSpec((D, OUT), lambda i: (0, 0)),
            pl.BlockSpec((D, OUT), lambda i: (0, 0)),
        ],
        out_specs=[
            pl.BlockSpec((bn, OUT), lambda i: (i, 0)),
            pl.BlockSpec((bn, OUT), lambda i: (i, 0)),
            pl.BlockSpec((D, OUT), lambda i: (0, 0)),
        ],
        out_shape=[
            jax.ShapeDtypeStruct((N, OUT), jnp.bfloat16),
            jax.ShapeDtypeStruct((N, OUT), jnp.bfloat16),
            jax.ShapeDtypeStruct((D, OUT), jnp.float32),
        ],
    )(x, w1a_t, w1c_t, w2a_t, w1b_t)



def _sc_gather_body(psrc_hbm, pdst_hbm, src_hbm, dst_hbm, gs_hbm, gd_hbm,
                    idx_s, idx_d, rows_s, rows_d, sem_g, sem_wb):
    wid = lax.axis_index("s") * _NC + lax.axis_index("c")
    base = wid * _EPW

    pltpu.sync_copy(src_hbm.at[pl.ds(base, _EPW)], idx_s)
    pltpu.sync_copy(dst_hbm.at[pl.ds(base, _EPW)], idx_d)

    def start_gathers(c, b):
        pltpu.async_copy(psrc_hbm.at[idx_s.at[pl.ds(c * _C, _C)]],
                         rows_s.at[b], sem_g.at[b])
        pltpu.async_copy(pdst_hbm.at[idx_d.at[pl.ds(c * _C, _C)]],
                         rows_d.at[b], sem_g.at[b])

    def wait_gathers(b):
        pltpu.make_async_copy(psrc_hbm.at[pl.ds(0, _C)], rows_s.at[b],
                              sem_g.at[b]).wait()
        pltpu.make_async_copy(psrc_hbm.at[pl.ds(0, _C)], rows_d.at[b],
                              sem_g.at[b]).wait()

    def start_wb(c, b):
        pltpu.async_copy(rows_s.at[b], gs_hbm.at[pl.ds(base + c * _C, _C)],
                         sem_wb.at[b])
        pltpu.async_copy(rows_d.at[b], gd_hbm.at[pl.ds(base + c * _C, _C)],
                         sem_wb.at[b])

    def wait_wb(b):
        pltpu.make_async_copy(psrc_hbm.at[pl.ds(0, _C)], rows_s.at[b],
                              sem_wb.at[b]).wait()
        pltpu.make_async_copy(psrc_hbm.at[pl.ds(0, _C)], rows_d.at[b],
                              sem_wb.at[b]).wait()

    for p in range(_P):
        start_gathers(p, p)

    def grp(g, carry):
        for b in range(_NBUF):
            c = g * _NBUF + b
            wait_gathers(b)
            start_wb(c, b)
            bp = (b + _P) % _NBUF

            @pl.when(c + _P < _NCHUNK)
            def _():
                @pl.when(c >= _NBUF - _P)
                def _():
                    wait_wb(bp)

                start_gathers(c + _P, bp)
        return carry

    lax.fori_loop(0, _NGRP, grp, 0)
    for b in range(_NBUF):
        wait_wb(b)


@functools.partial(
    pl.kernel,
    out_type=(jax.ShapeDtypeStruct((E, _W), jnp.int32),
              jax.ShapeDtypeStruct((E, _W), jnp.int32)),
    mesh=plsc.VectorSubcoreMesh(core_axis_name="c", subcore_axis_name="s"),
    scratch_types=[
        pltpu.VMEM((_EPW,), jnp.int32),
        pltpu.VMEM((_EPW,), jnp.int32),
        pltpu.VMEM((_NBUF, _C, _W), jnp.int32),
        pltpu.VMEM((_NBUF, _C, _W), jnp.int32),
        pltpu.SemaphoreType.DMA((_NBUF,)),
        pltpu.SemaphoreType.DMA((_NBUF,)),
    ],
    compiler_params=pltpu.CompilerParams(use_tc_tiling_on_sc=False),
)
def _sc_gather(psrc_hbm, pdst_hbm, src_hbm, dst_hbm, gs_hbm, gd_hbm,
               idx_s, idx_d, rows_s, rows_d, sem_g, sem_wb):
    _sc_gather_body(psrc_hbm, pdst_hbm, src_hbm, dst_hbm, gs_hbm, gd_hbm,
                    idx_s, idx_d, rows_s, rows_d, sem_g, sem_wb)



def _unpack_f32(w):
    lo = jax.lax.bitcast_convert_type(w << 16, jnp.float32)
    hi = jax.lax.bitcast_convert_type(jnp.bitwise_and(w, jnp.int32(-65536)),
                                      jnp.float32)
    return jnp.concatenate([lo, hi], axis=1)


def _main_body(gs_ref, gd_ref, eh_ref, ext_ref, m_ref, wext_ref, w2a_ref,
               b1_ref, b2_ref, out_ref):
    acc = jnp.dot(eh_ref[...], m_ref[...], preferred_element_type=jnp.float32)
    acc = acc + jnp.dot(ext_ref[...], wext_ref[...],
                        preferred_element_type=jnp.float32)
    bias = jnp.dot(b1_ref[...], w2a_ref[...],
                   preferred_element_type=jnp.float32) + b2_ref[...]
    gf = _unpack_f32(gs_ref[...]) + _unpack_f32(gd_ref[...])
    out_ref[...] = jnp.maximum(acc + gf + bias, 0.0)


def _main(gs, gd, e_h, ext, m, wext_t, w2a_t, b1, b2):
    be = 4000
    return pl.pallas_call(
        _main_body,
        grid=(E // be,),
        in_specs=[
            pl.BlockSpec((be, _W), lambda i: (i, 0)),
            pl.BlockSpec((be, _W), lambda i: (i, 0)),
            pl.BlockSpec((be, D), lambda i: (i, 0)),
            pl.BlockSpec((be, EXT), lambda i: (i, 0)),
            pl.BlockSpec((D, OUT), lambda i: (0, 0)),
            pl.BlockSpec((EXT, OUT), lambda i: (0, 0)),
            pl.BlockSpec((D, OUT), lambda i: (0, 0)),
            pl.BlockSpec((1, D), lambda i: (0, 0)),
            pl.BlockSpec((1, OUT), lambda i: (0, 0)),
        ],
        out_specs=pl.BlockSpec((be, OUT), lambda i: (i, 0)),
        out_shape=jax.ShapeDtypeStruct((E, OUT), jnp.float32),
    )(gs, gd, e_h, ext, m, wext_t, w2a_t, b1, b2)


def kernel(x, edge_index, e_h, ext_feature, W1, b1, W2, b2):
    w1a_t = W1[:, :D].T
    w1b_t = W1[:, D:2 * D].T
    w1c_t = W1[:, 2 * D:].T
    w2a_t = W2[:, :D].T
    wext_t = W2[:, D:].T
    src = edge_index[0]
    dst = edge_index[1]

    psrc, pdst, m = _prep(x, w1a_t, w1c_t, w2a_t, w1b_t)
    psrc_pk = jax.lax.bitcast_convert_type(
        jnp.stack([psrc[:, :_W], psrc[:, _W:]], axis=-1), jnp.int32)
    pdst_pk = jax.lax.bitcast_convert_type(
        jnp.stack([pdst[:, :_W], pdst[:, _W:]], axis=-1), jnp.int32)
    gs, gd = _sc_gather(psrc_pk, pdst_pk, src, dst)
    return _main(gs, gd, e_h, ext_feature, m, wext_t, w2a_t,
                 b1.reshape(1, D), b2.reshape(1, OUT))

# --- scband reference (transcript-rebuilt; emitter-appended) ---
"""Pipeline reference for scband-event-message-passing-edge-38740605010509 (READ-ONLY COPY).

The authoritative reference and input builder live on the scoring server;
editing this copy changes nothing except your own understanding.
"""

import jax, jax.numpy as jnp
import numpy as np

N = 10000
E = 320000
D = 128      # in_hid
EXT = 16     # ext_dim
OUT = 128    # out_hid


def setup_inputs(seed: int = 0) -> dict:
    key = jax.random.key(seed)
    ks = jax.random.split(key, 8)
    x = jax.random.normal(ks[0], (N, D), dtype=jnp.float32)
    edge_index = jax.random.randint(ks[1], (2, E), 0, N, dtype=jnp.int32)
    e_h = jax.random.normal(ks[2], (E, D), dtype=jnp.float32)
    ext_feature = jax.random.normal(ks[3], (E, EXT), dtype=jnp.float32)
    # fc1: Linear(3*in_hid -> in_hid)
    W1 = jax.random.normal(ks[4], (D, 3 * D), dtype=jnp.float32) / np.sqrt(3 * D)
    b1 = jnp.zeros((D,), dtype=jnp.float32)
    # fc2: Linear(in_hid + ext_dim -> out_hid)
    W2 = jax.random.normal(ks[5], (OUT, D + EXT), dtype=jnp.float32) / np.sqrt(D + EXT)
    b2 = jnp.zeros((OUT,), dtype=jnp.float32)
    return {"x": x, "edge_index": edge_index, "e_h": e_h,
            "ext_feature": ext_feature, "W1": W1, "b1": b1,
            "W2": W2, "b2": b2}


def reference(x, edge_index, e_h, ext_feature, W1, b1, W2, b2):
    # DGL apply_edges(apply_edge) from EventMessagePassingEdge.forward (eval mode,
    # dropout = identity, activation = None):
    #   evt = cat([src['h'], edges['e_h'], dst['h']])  -> fc1 -> cat with ext_feature
    #   -> fc2 -> relu; stored back as edge feature 'e_h'.
    src = edge_index[0]
    dst = edge_index[1]
    h_src = jnp.take(x, src, axis=0)   # gather [E, D]
    h_dst = jnp.take(x, dst, axis=0)   # gather [E, D]
    evt = jnp.concatenate([h_src, e_h, h_dst], axis=1)       # [E, 3D]
    h1 = evt @ W1.T + b1                                     # fc1 -> [E, D]
    eh_w_doc = jnp.concatenate([h1, ext_feature], axis=1)    # [E, D+EXT]
    e_h_new = jax.nn.relu(eh_w_doc @ W2.T + b2)              # fc2 -> [E, OUT]
    return e_h_new

if __name__ == "__main__":
    import jax
    _d = setup_inputs()
    print(jax.jit(kernel)(*tuple(_d.values())))

</pallas_src>

<mosaic_0001>
#map = affine_map<(d0, d1) -> (0, 0)>
#map1 = affine_map<(d0, d1) -> (0)>
module attributes {stable_mosaic.version = 14 : i64} {
  func.func @_sc_gather(%arg0: i32, %arg1: i32, %arg2: memref<10000x64xi32, #tpu.memory_space<hbm>>, %arg3: memref<10000x64xi32, #tpu.memory_space<hbm>>, %arg4: memref<320000xi32, #tpu.memory_space<hbm>>, %arg5: memref<320000xi32, #tpu.memory_space<hbm>>, %arg6: memref<320000x64xi32, #tpu.memory_space<hbm>>, %arg7: memref<320000x64xi32, #tpu.memory_space<hbm>>, %arg8: memref<10000xi32, #tpu.memory_space<vmem>>, %arg9: memref<10000xi32, #tpu.memory_space<vmem>>, %arg10: memref<5x80x64xi32, #tpu.memory_space<vmem>>, %arg11: memref<5x80x64xi32, #tpu.memory_space<vmem>>, %arg12: memref<5x!tpu.dma_semaphore, #tpu.memory_space<semaphore_mem>>, %arg13: memref<5x!tpu.dma_semaphore, #tpu.memory_space<semaphore_mem>>) attributes {dimension_semantics = [#tpu.dimension_semantics<core_parallel>, #tpu.dimension_semantics<subcore_parallel>], iteration_bounds = array<i64: 2, 16>, scalar_prefetch = 0 : i64, scratch_operands = 6 : i64, tpu.core_type = #tpu.core_type<sc_vector_subcore>, window_params = [{transform_indices = #map}, {transform_indices = #map}, {transform_indices = #map1}, {transform_indices = #map1}, {transform_indices = #map}, {transform_indices = #map}]} {
    %mul3A = arith.constant 2 : i32
    %mul3A_0 = arith.muli %arg1, %mul3A : i32
    %add3A = arith.addi %mul3A_0, %arg0 : i32
    %mul3A_1 = arith.constant 10000 : i32
    %mul3A_2 = arith.muli %add3A, %mul3A_1 : i32
    "tpu.region"() ({
      %run_scoped3A = tpu.sem_alloc : memref<!tpu.dma_semaphore, #tpu.memory_space<semaphore_mem>>
      %dma_start3A_264 = tpu.memref_slice %arg4[%mul3A_2] : memref<320000xi32, #tpu.memory_space<hbm>> -> memref<10000xi32, #tpu.memory_space<hbm>>
      %dma_start3A_265 = tpu.memref_slice %arg4[%mul3A_2] : memref<320000xi32, #tpu.memory_space<hbm>> -> memref<10000xi32, #tpu.memory_space<hbm>>
      tpu.enqueue_dma source(%dma_start3A_265 : memref<10000xi32, #tpu.memory_space<hbm>>) target(%arg8 : memref<10000xi32, #tpu.memory_space<vmem>>) target_semaphore(%run_scoped3A : memref<!tpu.dma_semaphore, #tpu.memory_space<semaphore_mem>>)
      %dma_wait3A_266 = tpu.memref_slice %arg4[%mul3A_2] : memref<320000xi32, #tpu.memory_space<hbm>> -> memref<10000xi32, #tpu.memory_space<hbm>>
      %dma_wait3A_267 = tpu.memref_slice %arg4[%mul3A_2] : memref<320000xi32, #tpu.memory_space<hbm>> -> memref<10000xi32, #tpu.memory_space<hbm>>
      tpu.wait_dma2 semaphore(%run_scoped3A : memref<!tpu.dma_semaphore, #tpu.memory_space<semaphore_mem>>) src(%dma_wait3A_267 : memref<10000xi32, #tpu.memory_space<hbm>>) dst(%arg8 : memref<10000xi32, #tpu.memory_space<vmem>>)
      tpu.yield
    }) : () -> ()
    "tpu.region"() ({
      %run_scoped3A = tpu.sem_alloc : memref<!tpu.dma_semaphore, #tpu.memory_space<semaphore_mem>>
      %dma_start3A_264 = tpu.memref_slice %arg5[%mul3A_2] : memref<320000xi32, #tpu.memory_space<hbm>> -> memref<10000xi32, #tpu.memory_space<hbm>>
      %dma_start3A_265 = tpu.memref_slice %arg5[%mul3A_2] : memref<320000xi32, #tpu.memory_space<hbm>> -> memref<10000xi32, #tpu.memory_space<hbm>>
      tpu.enqueue_dma source(%dma_start3A_265 : memref<10000xi32, #tpu.memory_space<hbm>>) target(%arg9 : memref<10000xi32, #tpu.memory_space<vmem>>) target_semaphore(%run_scoped3A : memref<!tpu.dma_semaphore, #tpu.memory_space<semaphore_mem>>)
      %dma_wait3A_266 = tpu.memref_slice %arg5[%mul3A_2] : memref<320000xi32, #tpu.memory_space<hbm>> -> memref<10000xi32, #tpu.memory_space<hbm>>
      %dma_wait3A_267 = tpu.memref_slice %arg5[%mul3A_2] : memref<320000xi32, #tpu.memory_space<hbm>> -> memref<10000xi32, #tpu.memory_space<hbm>>
      tpu.wait_dma2 semaphore(%run_scoped3A : memref<!tpu.dma_semaphore, #tpu.memory_space<semaphore_mem>>) src(%dma_wait3A_267 : memref<10000xi32, #tpu.memory_space<hbm>>) dst(%arg9 : memref<10000xi32, #tpu.memory_space<vmem>>)
      tpu.yield
    }) : () -> ()
    %dma_start3A = arith.constant 0 : i32
    %dma_start3A_3 = arith.constant 0 : i32
    %dma_start3A_4 = arith.constant 0 : i32
    %dma_start3A_5 = arith.constant 0 : i32
    %dma_start3A_6 = tpu.memref_slice %arg10[%dma_start3A, %dma_start3A_4, %dma_start3A_5] : memref<5x80x64xi32, #tpu.memory_space<vmem>> -> memref<1x80x64xi32, #tpu.memory_space<vmem>>
    %dma_start3A_7 = tpu.memref_squeeze %dma_start3A_6 : memref<1x80x64xi32, #tpu.memory_space<vmem>> -> memref<80x64xi32, #tpu.memory_space<vmem>>
    %dma_start3A_8 = arith.constant 0 : i32
    %dma_start3A_9 = tpu.memref_slice %arg8[%dma_start3A_8] : memref<10000xi32, #tpu.memory_space<vmem>> -> memref<80xi32, #tpu.memory_space<vmem>>
    %dma_start3A_10 = arith.constant 0 : i32
    %dma_start3A_11 = arith.constant 0 : i32
    %dma_start3A_12 = tpu.memref_slice %arg2[%dma_start3A_10, %dma_start3A_11] : memref<10000x64xi32, #tpu.memory_space<hbm>> -> memref<10000x64xi32, #tpu.memory_space<hbm>>
    %dma_start3A_13 = tpu.memref_slice %arg12[%dma_start3A_3] : memref<5x!tpu.dma_semaphore, #tpu.memory_space<semaphore_mem>> -> memref<1x!tpu.dma_semaphore, #tpu.memory_space<semaphore_mem>>
    %dma_start3A_14 = tpu.memref_squeeze %dma_start3A_13 : memref<1x!tpu.dma_semaphore, #tpu.memory_space<semaphore_mem>> -> memref<!tpu.dma_semaphore, #tpu.memory_space<semaphore_mem>>
    tpu.enqueue_indirect_dma source(%dma_start3A_12 : memref<10000x64xi32, #tpu.memory_space<hbm>>) target(%dma_start3A_7 : memref<80x64xi32, #tpu.memory_space<vmem>>) offsets(%dma_start3A_9 : memref<80xi32, #tpu.memory_space<vmem>>) semaphore(%dma_start3A_14 : memref<!tpu.dma_semaphore, #tpu.memory_space<semaphore_mem>>)
    %dma_start3A_15 = arith.constant 0 : i32
    %dma_start3A_16 = arith.constant 0 : i32
    %dma_start3A_17 = arith.constant 0 : i32
    %dma_start3A_18 = arith.constant 0 : i32
    %dma_start3A_19 = tpu.memref_slice %arg11[%dma_start3A_15, %dma_start3A_17, %dma_start3A_18] : memref<5x80x64xi32, #tpu.memory_space<vmem>> -> memref<1x80x64xi32, #tpu.memory_space<vmem>>
    %dma_start3A_20 = tpu.memref_squeeze %dma_start3A_19 : memref<1x80x64xi32, #tpu.memory_space<vmem>> -> memref<80x64xi32, #tpu.memory_space<vmem>>
    %dma_start3A_21 = arith.constant 0 : i32
    %dma_start3A_22 = tpu.memref_slice %arg9[%dma_start3A_21] : memref<10000xi32, #tpu.memory_space<vmem>> -> memref<80xi32, #tpu.memory_space<vmem>>
    %dma_start3A_23 = arith.constant 0 : i32
    %dma_start3A_24 = arith.constant 0 : i32
    %dma_start3A_25 = tpu.memref_slice %arg3[%dma_start3A_23, %dma_start3A_24] : memref<10000x64xi32, #tpu.memory_space<hbm>> -> memref<10000x64xi32, #tpu.memory_space<hbm>>
    %dma_start3A_26 = tpu.memref_slice %arg12[%dma_start3A_16] : memref<5x!tpu.dma_semaphore, #tpu.memory_space<semaphore_mem>> -> memref<1x!tpu.dma_semaphore, #tpu.memory_space<semaphore_mem>>
    %dma_start3A_27 = tpu.memref_squeeze %dma_start3A_26 : memref<1x!tpu.dma_semaphore, #tpu.memory_space<semaphore_mem>> -> memref<!tpu.dma_semaphore, #tpu.memory_space<semaphore_mem>>
    tpu.enqueue_indirect_dma source(%dma_start3A_25 : memref<10000x64xi32, #tpu.memory_space<hbm>>) target(%dma_start3A_20 : memref<80x64xi32, #tpu.memory_space<vmem>>) offsets(%dma_start3A_22 : memref<80xi32, #tpu.memory_space<vmem>>) semaphore(%dma_start3A_27 : memref<!tpu.dma_semaphore, #tpu.memory_space<semaphore_mem>>)
    %dma_start3A_28 = arith.constant 1 : i32
    %dma_start3A_29 = arith.constant 1 : i32
    %dma_start3A_30 = arith.constant 0 : i32
    %dma_start3A_31 = arith.constant 0 : i32
    %dma_start3A_32 = tpu.memref_slice %arg10[%dma_start3A_28, %dma_start3A_30, %dma_start3A_31] : memref<5x80x64xi32, #tpu.memory_space<vmem>> -> memref<1x80x64xi32, #tpu.memory_space<vmem>>
    %dma_start3A_33 = tpu.memref_squeeze %dma_start3A_32 : memref<1x80x64xi32, #tpu.memory_space<vmem>> -> memref<80x64xi32, #tpu.memory_space<vmem>>
    %dma_start3A_34 = arith.constant 80 : i32
    %dma_start3A_35 = tpu.memref_slice %arg8[%dma_start3A_34] : memref<10000xi32, #tpu.memory_space<vmem>> -> memref<80xi32, #tpu.memory_space<vmem>>
    %dma_start3A_36 = arith.constant 0 : i32
    %dma_start3A_37 = arith.constant 0 : i32
    %dma_start3A_38 = tpu.memref_slice %arg2[%dma_start3A_36, %dma_start3A_37] : memref<10000x64xi32, #tpu.memory_space<hbm>> -> memref<10000x64xi32, #tpu.memory_space<hbm>>
    %dma_start3A_39 = tpu.memref_slice %arg12[%dma_start3A_29] : memref<5x!tpu.dma_semaphore, #tpu.memory_space<semaphore_mem>> -> memref<1x!tpu.dma_semaphore, #tpu.memory_space<semaphore_mem>>
    %dma_start3A_40 = tpu.memref_squeeze %dma_start3A_39 : memref<1x!tpu.dma_semaphore, #tpu.memory_space<semaphore_mem>> -> memref<!tpu.dma_semaphore, #tpu.memory_space<semaphore_mem>>
    tpu.enqueue_indirect_dma source(%dma_start3A_38 : memref<10000x64xi32, #tpu.memory_space<hbm>>) target(%dma_start3A_33 : memref<80x64xi32, #tpu.memory_space<vmem>>) offsets(%dma_start3A_35 : memref<80xi32, #tpu.memory_space<vmem>>) semaphore(%dma_start3A_40 : memref<!tpu.dma_semaphore, #tpu.memory_space<semaphore_mem>>)
    %dma_start3A_41 = arith.constant 1 : i32
    %dma_start3A_42 = arith.constant 1 : i32
    %dma_start3A_43 = arith.constant 0 : i32
    %dma_start3A_44 = arith.constant 0 : i32
    %dma_start3A_45 = tpu.memref_slice %arg11[%dma_start3A_41, %dma_start3A_43, %dma_start3A_44] : memref<5x80x64xi32, #tpu.memory_space<vmem>> -> memref<1x80x64xi32, #tpu.memory_space<vmem>>
    %dma_start3A_46 = tpu.memref_squeeze %dma_start3A_45 : memref<1x80x64xi32, #tpu.memory_space<vmem>> -> memref<80x64xi32, #tpu.memory_space<vmem>>
    %dma_start3A_47 = arith.constant 80 : i32
    %dma_start3A_48 = tpu.memref_slice %arg9[%dma_start3A_47] : memref<10000xi32, #tpu.memory_space<vmem>> -> memref<80xi32, #tpu.memory_space<vmem>>
    %dma_start3A_49 = arith.constant 0 : i32
    %dma_start3A_50 = arith.constant 0 : i32
    %dma_start3A_51 = tpu.memref_slice %arg3[%dma_start3A_49, %dma_start3A_50] : memref<10000x64xi32, #tpu.memory_space<hbm>> -> memref<10000x64xi32, #tpu.memory_space<hbm>>
    %dma_start3A_52 = tpu.memref_slice %arg12[%dma_start3A_42] : memref<5x!tpu.dma_semaphore, #tpu.memory_space<semaphore_mem>> -> memref<1x!tpu.dma_semaphore, #tpu.memory_space<semaphore_mem>>
    %dma_start3A_53 = tpu.memref_squeeze %dma_start3A_52 : memref<1x!tpu.dma_semaphore, #tpu.memory_space<semaphore_mem>> -> memref<!tpu.dma_semaphore, #tpu.memory_space<semaphore_mem>>
    tpu.enqueue_indirect_dma source(%dma_start3A_51 : memref<10000x64xi32, #tpu.memory_space<hbm>>) target(%dma_start3A_46 : memref<80x64xi32, #tpu.memory_space<vmem>>) offsets(%dma_start3A_48 : memref<80xi32, #tpu.memory_space<vmem>>) semaphore(%dma_start3A_53 : memref<!tpu.dma_semaphore, #tpu.memory_space<semaphore_mem>>)
    %dma_start3A_54 = arith.constant 2 : i32
    %dma_start3A_55 = arith.constant 2 : i32
    %dma_start3A_56 = arith.constant 0 : i32
    %dma_start3A_57 = arith.constant 0 : i32
    %dma_start3A_58 = tpu.memref_slice %arg10[%dma_start3A_54, %dma_start3A_56, %dma_start3A_57] : memref<5x80x64xi32, #tpu.memory_space<vmem>> -> memref<1x80x64xi32, #tpu.memory_space<vmem>>
    %dma_start3A_59 = tpu.memref_squeeze %dma_start3A_58 : memref<1x80x64xi32, #tpu.memory_space<vmem>> -> memref<80x64xi32, #tpu.memory_space<vmem>>
    %dma_start3A_60 = arith.constant 160 : i32
    %dma_start3A_61 = tpu.memref_slice %arg8[%dma_start3A_60] : memref<10000xi32, #tpu.memory_space<vmem>> -> memref<80xi32, #tpu.memory_space<vmem>>
    %dma_start3A_62 = arith.constant 0 : i32
    %dma_start3A_63 = arith.constant 0 : i32
    %dma_start3A_64 = tpu.memref_slice %arg2[%dma_start3A_62, %dma_start3A_63] : memref<10000x64xi32, #tpu.memory_space<hbm>> -> memref<10000x64xi32, #tpu.memory_space<hbm>>
    %dma_start3A_65 = tpu.memref_slice %arg12[%dma_start3A_55] : memref<5x!tpu.dma_semaphore, #tpu.memory_space<semaphore_mem>> -> memref<1x!tpu.dma_semaphore, #tpu.memory_space<semaphore_mem>>
    %dma_start3A_66 = tpu.memref_squeeze %dma_start3A_65 : memref<1x!tpu.dma_semaphore, #tpu.memory_space<semaphore_mem>> -> memref<!tpu.dma_semaphore, #tpu.memory_space<semaphore_mem>>
    tpu.enqueue_indirect_dma source(%dma_start3A_64 : memref<10000x64xi32, #tpu.memory_space<hbm>>) target(%dma_start3A_59 : memref<80x64xi32, #tpu.memory_space<vmem>>) offsets(%dma_start3A_61 : memref<80xi32, #tpu.memory_space<vmem>>) semaphore(%dma_start3A_66 : memref<!tpu.dma_semaphore, #tpu.memory_space<semaphore_mem>>)
    %dma_start3A_67 = arith.constant 2 : i32
    %dma_start3A_68 = arith.constant 2 : i32
    %dma_start3A_69 = arith.constant 0 : i32
    %dma_start3A_70 = arith.constant 0 : i32
    %dma_start3A_71 = tpu.memref_slice %arg11[%dma_start3A_67, %dma_start3A_69, %dma_start3A_70] : memref<5x80x64xi32, #tpu.memory_space<vmem>> -> memref<1x80x64xi32, #tpu.memory_space<vmem>>
    %dma_start3A_72 = tpu.memref_squeeze %dma_start3A_71 : memref<1x80x64xi32, #tpu.memory_space<vmem>> -> memref<80x64xi32, #tpu.memory_space<vmem>>
    %dma_start3A_73 = arith.constant 160 : i32
    %dma_start3A_74 = tpu.memref_slice %arg9[%dma_start3A_73] : memref<10000xi32, #tpu.memory_space<vmem>> -> memref<80xi32, #tpu.memory_space<vmem>>
    %dma_start3A_75 = arith.constant 0 : i32
    %dma_start3A_76 = arith.constant 0 : i32
    %dma_start3A_77 = tpu.memref_slice %arg3[%dma_start3A_75, %dma_start3A_76] : memref<10000x64xi32, #tpu.memory_space<hbm>> -> memref<10000x64xi32, #tpu.memory_space<hbm>>
    %dma_start3A_78 = tpu.memref_slice %arg12[%dma_start3A_68] : memref<5x!tpu.dma_semaphore, #tpu.memory_space<semaphore_mem>> -> memref<1x!tpu.dma_semaphore, #tpu.memory_space<semaphore_mem>>
    %dma_start3A_79 = tpu.memref_squeeze %dma_start3A_78 : memref<1x!tpu.dma_semaphore, #tpu.memory_space<semaphore_mem>> -> memref<!tpu.dma_semaphore, #tpu.memory_space<semaphore_mem>>
    tpu.enqueue_indirect_dma source(%dma_start3A_77 : memref<10000x64xi32, #tpu.memory_space<hbm>>) target(%dma_start3A_72 : memref<80x64xi32, #tpu.memory_space<vmem>>) offsets(%dma_start3A_74 : memref<80xi32, #tpu.memory_space<vmem>>) semaphore(%dma_start3A_79 : memref<!tpu.dma_semaphore, #tpu.memory_space<semaphore_mem>>)
    %scan3A = arith.constant 0 : i32
    %scan3A_80 = arith.constant 0 : i32
    %scan3A_81 = arith.constant 25 : i32
    %scan3A_82 = arith.addi %scan3A_80, %scan3A_81 : i32
    %scan3A_83 = arith.constant 1 : i32
    scf.for %scan3A_264 = %scan3A_80 to %scan3A_82 step %scan3A_83  : i32 {
      %mul3A_265 = arith.constant 5 : i32
      %mul3A_266 = arith.muli %scan3A_264, %mul3A_265 : i32
      %add3A_267 = arith.constant 0 : i32
      %add3A_268 = arith.addi %mul3A_266, %add3A_267 : i32
      %dma_wait3A_269 = arith.constant 0 : i32
      %dma_wait3A_270 = arith.constant 0 : i32
      %dma_wait3A_271 = arith.constant 0 : i32
      %dma_wait3A_272 = arith.constant 0 : i32
      %dma_wait3A_273 = tpu.memref_slice %arg10[%dma_wait3A_269, %dma_wait3A_271, %dma_wait3A_272] : memref<5x80x64xi32, #tpu.memory_space<vmem>> -> memref<1x80x64xi32, #tpu.memory_space<vmem>>
      %dma_wait3A_274 = tpu.memref_squeeze %dma_wait3A_273 : memref<1x80x64xi32, #tpu.memory_space<vmem>> -> memref<80x64xi32, #tpu.memory_space<vmem>>
      %dma_wait3A_275 = arith.constant 0 : i32
      %dma_wait3A_276 = arith.constant 0 : i32
      %dma_wait3A_277 = tpu.memref_slice %arg2[%dma_wait3A_275, %dma_wait3A_276] : memref<10000x64xi32, #tpu.memory_space<hbm>> -> memref<80x64xi32, #tpu.memory_space<hbm>>
      %dma_wait3A_278 = tpu.memref_slice %arg12[%dma_wait3A_270] : memref<5x!tpu.dma_semaphore, #tpu.memory_space<semaphore_mem>> -> memref<1x!tpu.dma_semaphore, #tpu.memory_space<semaphore_mem>>
      %dma_wait3A_279 = tpu.memref_squeeze %dma_wait3A_278 : memref<1x!tpu.dma_semaphore, #tpu.memory_space<semaphore_mem>> -> memref<!tpu.dma_semaphore, #tpu.memory_space<semaphore_mem>>
      %dma_wait3A_280 = arith.constant 0 : i32
      %dma_wait3A_281 = arith.constant 0 : i32
      %dma_wait3A_282 = tpu.memref_slice %arg10[%dma_wait3A_269, %dma_wait3A_280, %dma_wait3A_281] : memref<5x80x64xi32, #tpu.memory_space<vmem>> -> memref<1x80x64xi32, #tpu.memory_space<vmem>>
      %dma_wait3A_283 = tpu.memref_squeeze %dma_wait3A_282 : memref<1x80x64xi32, #tpu.memory_space<vmem>> -> memref<80x64xi32, #tpu.memory_space<vmem>>
      %dma_wait3A_284 = arith.constant 0 : i32
      %dma_wait3A_285 = arith.constant 0 : i32
      %dma_wait3A_286 = tpu.memref_slice %arg2[%dma_wait3A_284, %dma_wait3A_285] : memref<10000x64xi32, #tpu.memory_space<hbm>> -> memref<80x64xi32, #tpu.memory_space<hbm>>
      tpu.wait_dma2 semaphore(%dma_wait3A_279 : memref<!tpu.dma_semaphore, #tpu.memory_space<semaphore_mem>>) src(%dma_wait3A_286 : memref<80x64xi32, #tpu.memory_space<hbm>>) dst(%dma_wait3A_283 : memref<80x64xi32, #tpu.memory_space<vmem>>)
      %dma_wait3A_287 = arith.constant 0 : i32
      %dma_wait3A_288 = arith.constant 0 : i32
      %dma_wait3A_289 = arith.constant 0 : i32
      %dma_wait3A_290 = arith.constant 0 : i32
      %dma_wait3A_291 = tpu.memref_slice %arg11[%dma_wait3A_287, %dma_wait3A_289, %dma_wait3A_290] : memref<5x80x64xi32, #tpu.memory_space<vmem>> -> memref<1x80x64xi32, #tpu.memory_space<vmem>>
      %dma_wait3A_292 = tpu.memref_squeeze %dma_wait3A_291 : memref<1x80x64xi32, #tpu.memory_space<vmem>> -> memref<80x64xi32, #tpu.memory_space<vmem>>
      %dma_wait3A_293 = arith.constant 0 : i32
      %dma_wait3A_294 = arith.constant 0 : i32
      %dma_wait3A_295 = tpu.memref_slice %arg2[%dma_wait3A_293, %dma_wait3A_294] : memref<10000x64xi32, #tpu.memory_space<hbm>> -> memref<80x64xi32, #tpu.memory_space<hbm>>
      %dma_wait3A_296 = tpu.memref_slice %arg12[%dma_wait3A_288] : memref<5x!tpu.dma_semaphore, #tpu.memory_space<semaphore_mem>> -> memref<1x!tpu.dma_semaphore, #tpu.memory_space<semaphore_mem>>
      %dma_wait3A_297 = tpu.memref_squeeze %dma_wait3A_296 : memref<1x!tpu.dma_semaphore, #tpu.memory_space<semaphore_mem>> -> memref<!tpu.dma_semaphore, #tpu.memory_space<semaphore_mem>>
      %dma_wait3A_298 = arith.constant 0 : i32
      %dma_wait3A_299 = arith.constant 0 : i32
      %dma_wait3A_300 = tpu.memref_slice %arg11[%dma_wait3A_287, %dma_wait3A_298, %dma_wait3A_299] : memref<5x80x64xi32, #tpu.memory_space<vmem>> -> memref<1x80x64xi32, #tpu.memory_space<vmem>>
      %dma_wait3A_301 = tpu.memref_squeeze %dma_wait3A_300 : memref<1x80x64xi32, #tpu.memory_space<vmem>> -> memref<80x64xi32, #tpu.memory_space<vmem>>
      %dma_wait3A_302 = arith.constant 0 : i32
      %dma_wait3A_303 = arith.constant 0 : i32
      %dma_wait3A_304 = tpu.memref_slice %arg2[%dma_wait3A_302, %dma_wait3A_303] : memref<10000x64xi32, #tpu.memory_space<hbm>> -> memref<80x64xi32, #tpu.memory_space<hbm>>
      tpu.wait_dma2 semaphore(%dma_wait3A_297 : memref<!tpu.dma_semaphore, #tpu.memory_space<semaphore_mem>>) src(%dma_wait3A_304 : memref<80x64xi32, #tpu.memory_space<hbm>>) dst(%dma_wait3A_301 : memref<80x64xi32, #tpu.memory_space<vmem>>)
      %mul3A_305 = arith.constant 80 : i32
      %mul3A_306 = arith.muli %add3A_268, %mul3A_305 : i32
      %add3A_307 = arith.addi %mul3A_2, %mul3A_306 : i32
      %dma_start3A_308 = arith.constant 0 : i32
      %dma_start3A_309 = arith.constant 0 : i32
      %dma_start3A_310 = arith.constant 0 : i32
      %dma_start3A_311 = arith.constant 0 : i32
      %dma_start3A_312 = tpu.memref_slice %arg10[%dma_start3A_308, %dma_start3A_310, %dma_start3A_311] : memref<5x80x64xi32, #tpu.memory_space<vmem>> -> memref<1x80x64xi32, #tpu.memory_space<vmem>>
      %dma_start3A_313 = tpu.memref_squeeze %dma_start3A_312 : memref<1x80x64xi32, #tpu.memory_space<vmem>> -> memref<80x64xi32, #tpu.memory_space<vmem>>
      %dma_start3A_314 = arith.constant 0 : i32
      %dma_start3A_315 = tpu.memref_slice %arg6[%add3A_307, %dma_start3A_314] : memref<320000x64xi32, #tpu.memory_space<hbm>> -> memref<80x64xi32, #tpu.memory_space<hbm>>
      %dma_start3A_316 = tpu.memref_slice %arg13[%dma_start3A_309] : memref<5x!tpu.dma_semaphore, #tpu.memory_space<semaphore_mem>> -> memref<1x!tpu.dma_semaphore, #tpu.memory_space<semaphore_mem>>
      %dma_start3A_317 = tpu.memref_squeeze %dma_start3A_316 : memref<1x!tpu.dma_semaphore, #tpu.memory_space<semaphore_mem>> -> memref<!tpu.dma_semaphore, #tpu.memory_space<semaphore_mem>>
      %dma_start3A_318 = arith.constant 0 : i32
      %dma_start3A_319 = tpu.memref_slice %arg6[%add3A_307, %dma_start3A_318] : memref<320000x64xi32, #tpu.memory_space<hbm>> -> memref<80x64xi32, #tpu.memory_space<hbm>>
      %dma_start3A_320 = arith.constant 0 : i32
      %dma_start3A_321 = arith.constant 0 : i32
      %dma_start3A_322 = tpu.memref_slice %arg10[%dma_start3A_308, %dma_start3A_320, %dma_start3A_321] : memref<5x80x64xi32, #tpu.memory_space<vmem>> -> memref<1x80x64xi32, #tpu.memory_space<vmem>>
      %dma_start3A_323 = tpu.memref_squeeze %dma_start3A_322 : memref<1x80x64xi32, #tpu.memory_space<vmem>> -> memref<80x64xi32, #tpu.memory_space<vmem>>
      tpu.enqueue_dma source(%dma_start3A_323 : memref<80x64xi32, #tpu.memory_space<vmem>>) target(%dma_start3A_319 : memref<80x64xi32, #tpu.memory_space<hbm>>) target_semaphore(%dma_start3A_317 : memref<!tpu.dma_semaphore, #tpu.memory_space<semaphore_mem>>)
      %mul3A_324 = arith.constant 80 : i32
      %mul3A_325 = arith.muli %add3A_268, %mul3A_324 : i32
      %add3A_326 = arith.addi %mul3A_2, %mul3A_325 : i32
      %dma_start3A_327 = arith.constant 0 : i32
      %dma_start3A_328 = arith.constant 0 : i32
      %dma_start3A_329 = arith.constant 0 : i32
      %dma_start3A_330 = arith.constant 0 : i32
      %dma_start3A_331 = tpu.memref_slice %arg11[%dma_start3A_327, %dma_start3A_329, %dma_start3A_330] : memref<5x80x64xi32, #tpu.memory_space<vmem>> -> memref<1x80x64xi32, #tpu.memory_space<vmem>>
      %dma_start3A_332 = tpu.memref_squeeze %dma_start3A_331 : memref<1x80x64xi32, #tpu.memory_space<vmem>> -> memref<80x64xi32, #tpu.memory_space<vmem>>
      %dma_start3A_333 = arith.constant 0 : i32
      %dma_start3A_334 = tpu.memref_slice %arg7[%add3A_326, %dma_start3A_333] : memref<320000x64xi32, #tpu.memory_space<hbm>> -> memref<80x64xi32, #tpu.memory_space<hbm>>
      %dma_start3A_335 = tpu.memref_slice %arg13[%dma_start3A_328] : memref<5x!tpu.dma_semaphore, #tpu.memory_space<semaphore_mem>> -> memref<1x!tpu.dma_semaphore, #tpu.memory_space<semaphore_mem>>
      %dma_start3A_336 = tpu.memref_squeeze %dma_start3A_335 : memref<1x!tpu.dma_semaphore, #tpu.memory_space<semaphore_mem>> -> memref<!tpu.dma_semaphore, #tpu.memory_space<semaphore_mem>>
      %dma_start3A_337 = arith.constant 0 : i32
      %dma_start3A_338 = tpu.memref_slice %arg7[%add3A_326, %dma_start3A_337] : memref<320000x64xi32, #tpu.memory_space<hbm>> -> memref<80x64xi32, #tpu.memory_space<hbm>>
      %dma_start3A_339 = arith.constant 0 : i32
      %dma_start3A_340 = arith.constant 0 : i32
      %dma_start3A_341 = tpu.memref_slice %arg11[%dma_start3A_327, %dma_start3A_339, %dma_start3A_340] : memref<5x80x64xi32, #tpu.memory_space<vmem>> -> memref<1x80x64xi32, #tpu.memory_space<vmem>>
      %dma_start3A_342 = tpu.memref_squeeze %dma_start3A_341 : memref<1x80x64xi32, #tpu.memory_space<vmem>> -> memref<80x64xi32, #tpu.memory_space<vmem>>
      tpu.enqueue_dma source(%dma_start3A_342 : memref<80x64xi32, #tpu.memory_space<vmem>>) target(%dma_start3A_338 : memref<80x64xi32, #tpu.memory_space<hbm>>) target_semaphore(%dma_start3A_336 : memref<!tpu.dma_semaphore, #tpu.memory_space<semaphore_mem>>)
      %add3A_343 = arith.constant 3 : i32
      %add3A_344 = arith.addi %add3A_268, %add3A_343 : i32
      %lt3A = arith.constant 125 : i32
      %lt3A_345 = arith.cmpi slt, %add3A_344, %lt3A : i32
      %convert_element_type3A = arith.extui %lt3A_345 : i1 to i32
      %cond3A = arith.constant 0 : i32
      %cond3A_346 = arith.cmpi ne, %convert_element_type3A, %cond3A : i32
      scf.if %cond3A_346 {
        %ge3A = arith.constant 2 : i32
        %ge3A_687 = arith.cmpi sge, %add3A_268, %ge3A : i32
        %convert_element_type3A_688 = arith.extui %ge3A_687 : i1 to i32
        %cond3A_689 = arith.constant 0 : i32
        %cond3A_690 = arith.cmpi ne, %convert_element_type3A_688, %cond3A_689 : i32
        scf.if %cond3A_690 {
          %dma_wait3A_721 = arith.constant 3 : i32
          %dma_wait3A_722 = arith.constant 3 : i32
          %dma_wait3A_723 = arith.constant 0 : i32
          %dma_wait3A_724 = arith.constant 0 : i32
          %dma_wait3A_725 = tpu.memref_slice %arg10[%dma_wait3A_721, %dma_wait3A_723, %dma_wait3A_724] : memref<5x80x64xi32, #tpu.memory_space<vmem>> -> memref<1x80x64xi32, #tpu.memory_space<vmem>>
          %dma_wait3A_726 = tpu.memref_squeeze %dma_wait3A_725 : memref<1x80x64xi32, #tpu.memory_space<vmem>> -> memref<80x64xi32, #tpu.memory_space<vmem>>
          %dma_wait3A_727 = arith.constant 0 : i32
          %dma_wait3A_728 = arith.constant 0 : i32
          %dma_wait3A_729 = tpu.memref_slice %arg2[%dma_wait3A_727, %dma_wait3A_728] : memref<10000x64xi32, #tpu.memory_space<hbm>> -> memref<80x64xi32, #tpu.memory_space<hbm>>
          %dma_wait3A_730 = tpu.memref_slice %arg13[%dma_wait3A_722] : memref<5x!tpu.dma_semaphore, #tpu.memory_space<semaphore_mem>> -> memref<1x!tpu.dma_semaphore, #tpu.memory_space<semaphore_mem>>
          %dma_wait3A_731 = tpu.memref_squeeze %dma_wait3A_730 : memref<1x!tpu.dma_semaphore, #tpu.memory_space<semaphore_mem>> -> memref<!tpu.dma_semaphore, #tpu.memory_space<semaphore_mem>>
          %dma_wait3A_732 = arith.constant 0 : i32
          %dma_wait3A_733 = arith.constant 0 : i32
          %dma_wait3A_734 = tpu.memref_slice %arg10[%dma_wait3A_721, %dma_wait3A_732, %dma_wait3A_733] : memref<5x80x64xi32, #tpu.memory_space<vmem>> -> memref<1x80x64xi32, #tpu.memory_space<vmem>>
          %dma_wait3A_735 = tpu.memref_squeeze %dma_wait3A_734 : memref<1x80x64xi32, #tpu.memory_space<vmem>> -> memref<80x64xi32, #tpu.memory_space<vmem>>
          %dma_wait3A_736 = arith.constant 0 : i32
          %dma_wait3A_737 = arith.constant 0 : i32
          %dma_wait3A_738 = tpu.memref_slice %arg2[%dma_wait3A_736, %dma_wait3A_737] : memref<10000x64xi32, #tpu.memory_space<hbm>> -> memref<80x64xi32, #tpu.memory_space<hbm>>
          tpu.wait_dma2 semaphore(%dma_wait3A_731 : memref<!tpu.dma_semaphore, #tpu.memory_space<semaphore_mem>>) src(%dma_wait3A_738 : memref<80x64xi32, #tpu.memory_space<hbm>>) dst(%dma_wait3A_735 : memref<80x64xi32, #tpu.memory_space<vmem>>)
          %dma_wait3A_739 = arith.constant 3 : i32
          %dma_wait3A_740 = arith.constant 3 : i32
          %dma_wait3A_741 = arith.constant 0 : i32
          %dma_wait3A_742 = arith.constant 0 : i32
          %dma_wait3A_743 = tpu.memref_slice %arg11[%dma_wait3A_739, %dma_wait3A_741, %dma_wait3A_742] : memref<5x80x64xi32, #tpu.memory_space<vmem>> -> memref<1x80x64xi32, #tpu.memory_space<vmem>>
          %dma_wait3A_744 = tpu.memref_squeeze %dma_wait3A_743 : memref<1x80x64xi32, #tpu.memory_space<vmem>> -> memref<80x64xi32, #tpu.memory_space<vmem>>
          %dma_wait3A_745 = arith.constant 0 : i32
          %dma_wait3A_746 = arith.constant 0 : i32
          %dma_wait3A_747 = tpu.memref_slice %arg2[%dma_wait3A_745, %dma_wait3A_746] : memref<10000x64xi32, #tpu.memory_space<hbm>> -> memref<80x64xi32, #tpu.memory_space<hbm>>
          %dma_wait3A_748 = tpu.memref_slice %arg13[%dma_wait3A_740] : memref<5x!tpu.dma_semaphore, #tpu.memory_space<semaphore_mem>> -> memref<1x!tpu.dma_semaphore, #tpu.memory_space<semaphore_mem>>
          %dma_wait3A_749 = tpu.memref_squeeze %dma_wait3A_748 : memref<1x!tpu.dma_semaphore, #tpu.memory_space<semaphore_mem>> -> memref<!tpu.dma_semaphore, #tpu.memory_space<semaphore_mem>>
          %dma_wait3A_750 = arith.constant 0 : i32
          %dma_wait3A_751 = arith.constant 0 : i32
          %dma_wait3A_752 = tpu.memref_slice %arg11[%dma_wait3A_739, %dma_wait3A_750, %dma_wait3A_751] : memref<5x80x64xi32, #tpu.memory_space<vmem>> -> memref<1x80x64xi32, #tpu.memory_space<vmem>>
          %dma_wait3A_753 = tpu.memref_squeeze %dma_wait3A_752 : memref<1x80x64xi32, #tpu.memory_space<vmem>> -> memref<80x64xi32, #tpu.memory_space<vmem>>
          %dma_wait3A_754 = arith.constant 0 : i32
          %dma_wait3A_755 = arith.constant 0 : i32
          %dma_wait3A_756 = tpu.memref_slice %arg2[%dma_wait3A_754, %dma_wait3A_755] : memref<10000x64xi32, #tpu.memory_space<hbm>> -> memref<80x64xi32, #tpu.memory_space<hbm>>
          tpu.wait_dma2 semaphore(%dma_wait3A_749 : memref<!tpu.dma_semaphore, #tpu.memory_space<semaphore_mem>>) src(%dma_wait3A_756 : memref<80x64xi32, #tpu.memory_space<hbm>>) dst(%dma_wait3A_753 : memref<80x64xi32, #tpu.memory_space<vmem>>)
        } else {
        }
        %add3A_691 = arith.constant 3 : i32
        %add3A_692 = arith.addi %add3A_268, %add3A_691 : i32
        %mul3A_693 = arith.constant 80 : i32
        %mul3A_694 = arith.muli %add3A_692, %mul3A_693 : i32
        %dma_start3A_695 = arith.constant 3 : i32
        %dma_start3A_696 = arith.constant 3 : i32
        %dma_start3A_697 = arith.constant 0 : i32
        %dma_start3A_698 = arith.constant 0 : i32
        %dma_start3A_699 = tpu.memref_slice %arg10[%dma_start3A_695, %dma_start3A_697, %dma_start3A_698] : memref<5x80x64xi32, #tpu.memory_space<vmem>> -> memref<1x80x64xi32, #tpu.memory_space<vmem>>
        %dma_start3A_700 = tpu.memref_squeeze %dma_start3A_699 : memref<1x80x64xi32, #tpu.memory_space<vmem>> -> memref<80x64xi32, #tpu.memory_space<vmem>>
        %dma_start3A_701 = tpu.memref_slice %arg8[%mul3A_694] : memref<10000xi32, #tpu.memory_space<vmem>> -> memref<80xi32, #tpu.memory_space<vmem>>
        %dma_start3A_702 = arith.constant 0 : i32
        %dma_start3A_703 = arith.constant 0 : i32
        %dma_start3A_704 = tpu.memref_slice %arg2[%dma_start3A_702, %dma_start3A_703] : memref<10000x64xi32, #tpu.memory_space<hbm>> -> memref<10000x64xi32, #tpu.memory_space<hbm>>
        %dma_start3A_705 = tpu.memref_slice %arg12[%dma_start3A_696] : memref<5x!tpu.dma_semaphore, #tpu.memory_space<semaphore_mem>> -> memref<1x!tpu.dma_semaphore, #tpu.memory_space<semaphore_mem>>
        %dma_start3A_706 = tpu.memref_squeeze %dma_start3A_705 : memref<1x!tpu.dma_semaphore, #tpu.memory_space<semaphore_mem>> -> memref<!tpu.dma_semaphore, #tpu.memory_space<semaphore_mem>>
        tpu.enqueue_indirect_dma source(%dma_start3A_704 : memref<10000x64xi32, #tpu.memory_space<hbm>>) target(%dma_start3A_700 : memref<80x64xi32, #tpu.memory_space<vmem>>) offsets(%dma_start3A_701 : memref<80xi32, #tpu.memory_space<vmem>>) semaphore(%dma_start3A_706 : memref<!tpu.dma_semaphore, #tpu.memory_space<semaphore_mem>>)
        %mul3A_707 = arith.constant 80 : i32
        %mul3A_708 = arith.muli %add3A_692, %mul3A_707 : i32
        %dma_start3A_709 = arith.constant 3 : i32
        %dma_start3A_710 = arith.constant 3 : i32
        %dma_start3A_711 = arith.constant 0 : i32
        %dma_start3A_712 = arith.constant 0 : i32
        %dma_start3A_713 = tpu.memref_slice %arg11[%dma_start3A_709, %dma_start3A_711, %dma_start3A_712] : memref<5x80x64xi32, #tpu.memory_space<vmem>> -> memref<1x80x64xi32, #tpu.memory_space<vmem>>
        %dma_start3A_714 = tpu.memref_squeeze %dma_start3A_713 : memref<1x80x64xi32, #tpu.memory_space<vmem>> -> memref<80x64xi32, #tpu.memory_space<vmem>>
        %dma_start3A_715 = tpu.memref_slice %arg9[%mul3A_708] : memref<10000xi32, #tpu.memory_space<vmem>> -> memref<80xi32, #tpu.memory_space<vmem>>
        %dma_start3A_716 = arith.constant 0 : i32
        %dma_start3A_717 = arith.constant 0 : i32
        %dma_start3A_718 = tpu.memref_slice %arg3[%dma_start3A_716, %dma_start3A_717] : memref<10000x64xi32, #tpu.memory_space<hbm>> -> memref<10000x64xi32, #tpu.memory_space<hbm>>
        %dma_start3A_719 = tpu.memref_slice %arg12[%dma_start3A_710] : memref<5x!tpu.dma_semaphore, #tpu.memory_space<semaphore_mem>> -> memref<1x!tpu.dma_semaphore, #tpu.memory_space<semaphore_mem>>
        %dma_start3A_720 = tpu.memref_squeeze %dma_start3A_719 : memref<1x!tpu.dma_semaphore, #tpu.memory_space<semaphore_mem>> -> memref<!tpu.dma_semaphore, #tpu.memory_space<semaphore_mem>>
        tpu.enqueue_indirect_dma source(%dma_start3A_718 : memref<10000x64xi32, #tpu.memory_space<hbm>>) target(%dma_start3A_714 : memref<80x64xi32, #tpu.memory_space<vmem>>) offsets(%dma_start3A_715 : memref<80xi32, #tpu.memory_space<vmem>>) semaphore(%dma_start3A_720 : memref<!tpu.dma_semaphore, #tpu.memory_space<semaphore_mem>>)
      } else {
      }
      %mul3A_347 = arith.constant 5 : i32
      %mul3A_348 = arith.muli %scan3A_264, %mul3A_347 : i32
      %add3A_349 = arith.constant 1 : i32
      %add3A_350 = arith.addi %mul3A_348, %add3A_349 : i32
      %dma_wait3A_351 = arith.constant 1 : i32
      %dma_wait3A_352 = arith.constant 1 : i32
      %dma_wait3A_353 = arith.constant 0 : i32
      %dma_wait3A_354 = arith.constant 0 : i32
      %dma_wait3A_355 = tpu.memref_slice %arg10[%dma_wait3A_351, %dma_wait3A_353, %dma_wait3A_354] : memref<5x80x64xi32, #tpu.memory_space<vmem>> -> memref<1x80x64xi32, #tpu.memory_space<vmem>>
      %dma_wait3A_356 = tpu.memref_squeeze %dma_wait3A_355 : memref<1x80x64xi32, #tpu.memory_space<vmem>> -> memref<80x64xi32, #tpu.memory_space<vmem>>
      %dma_wait3A_357 = arith.constant 0 : i32
      %dma_wait3A_358 = arith.constant 0 : i32
      %dma_wait3A_359 = tpu.memref_slice %arg2[%dma_wait3A_357, %dma_wait3A_358] : memref<10000x64xi32, #tpu.memory_space<hbm>> -> memref<80x64xi32, #tpu.memory_space<hbm>>
      %dma_wait3A_360 = tpu.memref_slice %arg12[%dma_wait3A_352] : memref<5x!tpu.dma_semaphore, #tpu.memory_space<semaphore_mem>> -> memref<1x!tpu.dma_semaphore, #tpu.memory_space<semaphore_mem>>
      %dma_wait3A_361 = tpu.memref_squeeze %dma_wait3A_360 : memref<1x!tpu.dma_semaphore, #tpu.memory_space<semaphore_mem>> -> memref<!tpu.dma_semaphore, #tpu.memory_space<semaphore_mem>>
      %dma_wait3A_362 = arith.constant 0 : i32
      %dma_wait3A_363 = arith.constant 0 : i32
      %dma_wait3A_364 = tpu.memref_slice %arg10[%dma_wait3A_351, %dma_wait3A_362, %dma_wait3A_363] : memref<5x80x64xi32, #tpu.memory_space<vmem>> -> memref<1x80x64xi32, #tpu.memory_space<vmem>>
      %dma_wait3A_365 = tpu.memref_squeeze %dma_wait3A_364 : memref<1x80x64xi32, #tpu.memory_space<vmem>> -> memref<80x64xi32, #tpu.memory_space<vmem>>
      %dma_wait3A_366 = arith.constant 0 : i32
      %dma_wait3A_367 = arith.constant 0 : i32
      %dma_wait3A_368 = tpu.memref_slice %arg2[%dma_wait3A_366, %dma_wait3A_367] : memref<10000x64xi32, #tpu.memory_space<hbm>> -> memref<80x64xi32, #tpu.memory_space<hbm>>
      tpu.wait_dma2 semaphore(%dma_wait3A_361 : memref<!tpu.dma_semaphore, #tpu.memory_space<semaphore_mem>>) src(%dma_wait3A_368 : memref<80x64xi32, #tpu.memory_space<hbm>>) dst(%dma_wait3A_365 : memref<80x64xi32, #tpu.memory_space<vmem>>)
      %dma_wait3A_369 = arith.constant 1 : i32
      %dma_wait3A_370 = arith.constant 1 : i32
      %dma_wait3A_371 = arith.constant 0 : i32
      %dma_wait3A_372 = arith.constant 0 : i32
      %dma_wait3A_373 = tpu.memref_slice %arg11[%dma_wait3A_369, %dma_wait3A_371, %dma_wait3A_372] : memref<5x80x64xi32, #tpu.memory_space<vmem>> -> memref<1x80x64xi32, #tpu.memory_space<vmem>>
      %dma_wait3A_374 = tpu.memref_squeeze %dma_wait3A_373 : memref<1x80x64xi32, #tpu.memory_space<vmem>> -> memref<80x64xi32, #tpu.memory_space<vmem>>
      %dma_wait3A_375 = arith.constant 0 : i32
      %dma_wait3A_376 = arith.constant 0 : i32
      %dma_wait3A_377 = tpu.memref_slice %arg2[%dma_wait3A_375, %dma_wait3A_376] : memref<10000x64xi32, #tpu.memory_space<hbm>> -> memref<80x64xi32, #tpu.memory_space<hbm>>
      %dma_wait3A_378 = tpu.memref_slice %arg12[%dma_wait3A_370] : memref<5x!tpu.dma_semaphore, #tpu.memory_space<semaphore_mem>> -> memref<1x!tpu.dma_semaphore, #tpu.memory_space<semaphore_mem>>
      %dma_wait3A_379 = tpu.memref_squeeze %dma_wait3A_378 : memref<1x!tpu.dma_semaphore, #tpu.memory_space<semaphore_mem>> -> memref<!tpu.dma_semaphore, #tpu.memory_space<semaphore_mem>>
      %dma_wait3A_380 = arith.constant 0 : i32
      %dma_wait3A_381 = arith.constant 0 : i32
      %dma_wait3A_382 = tpu.memref_slice %arg11[%dma_wait3A_369, %dma_wait3A_380, %dma_wait3A_381] : memref<5x80x64xi32, #tpu.memory_space<vmem>> -> memref<1x80x64xi32, #tpu.memory_space<vmem>>
      %dma_wait3A_383 = tpu.memref_squeeze %dma_wait3A_382 : memref<1x80x64xi32, #tpu.memory_space<vmem>> -> memref<80x64xi32, #tpu.memory_space<vmem>>
      %dma_wait3A_384 = arith.constant 0 : i32
      %dma_wait3A_385 = arith.constant 0 : i32
      %dma_wait3A_386 = tpu.memref_slice %arg2[%dma_wait3A_384, %dma_wait3A_385] : memref<10000x64xi32, #tpu.memory_space<hbm>> -> memref<80x64xi32, #tpu.memory_space<hbm>>
      tpu.wait_dma2 semaphore(%dma_wait3A_379 : memref<!tpu.dma_semaphore, #tpu.memory_space<semaphore_mem>>) src(%dma_wait3A_386 : memref<80x64xi32, #tpu.memory_space<hbm>>) dst(%dma_wait3A_383 : memref<80x64xi32, #tpu.memory_space<vmem>>)
      %mul3A_387 = arith.constant 80 : i32
      %mul3A_388 = arith.muli %add3A_350, %mul3A_387 : i32
      %add3A_389 = arith.addi %mul3A_2, %mul3A_388 : i32
      %dma_start3A_390 = arith.constant 1 : i32
      %dma_start3A_391 = arith.constant 1 : i32
      %dma_start3A_392 = arith.constant 0 : i32
      %dma_start3A_393 = arith.constant 0 : i32
      %dma_start3A_394 = tpu.memref_slice %arg10[%dma_start3A_390, %dma_start3A_392, %dma_start3A_393] : memref<5x80x64xi32, #tpu.memory_space<vmem>> -> memref<1x80x64xi32, #tpu.memory_space<vmem>>
      %dma_start3A_395 = tpu.memref_squeeze %dma_start3A_394 : memref<1x80x64xi32, #tpu.memory_space<vmem>> -> memref<80x64xi32, #tpu.memory_space<vmem>>
      %dma_start3A_396 = arith.constant 0 : i32
      %dma_start3A_397 = tpu.memref_slice %arg6[%add3A_389, %dma_start3A_396] : memref<320000x64xi32, #tpu.memory_space<hbm>> -> memref<80x64xi32, #tpu.memory_space<hbm>>
      %dma_start3A_398 = tpu.memref_slice %arg13[%dma_start3A_391] : memref<5x!tpu.dma_semaphore, #tpu.memory_space<semaphore_mem>> -> memref<1x!tpu.dma_semaphore, #tpu.memory_space<semaphore_mem>>
      %dma_start3A_399 = tpu.memref_squeeze %dma_start3A_398 : memref<1x!tpu.dma_semaphore, #tpu.memory_space<semaphore_mem>> -> memref<!tpu.dma_semaphore, #tpu.memory_space<semaphore_mem>>
      %dma_start3A_400 = arith.constant 0 : i32
      %dma_start3A_401 = tpu.memref_slice %arg6[%add3A_389, %dma_start3A_400] : memref<320000x64xi32, #tpu.memory_space<hbm>> -> memref<80x64xi32, #tpu.memory_space<hbm>>
      %dma_start3A_402 = arith.constant 0 : i32
      %dma_start3A_403 = arith.constant 0 : i32
      %dma_start3A_404 = tpu.memref_slice %arg10[%dma_start3A_390, %dma_start3A_402, %dma_start3A_403] : memref<5x80x64xi32, #tpu.memory_space<vmem>> -> memref<1x80x64xi32, #tpu.memory_space<vmem>>
      %dma_start3A_405 = tpu.memref_squeeze %dma_start3A_404 : memref<1x80x64xi32, #tpu.memory_space<vmem>> -> memref<80x64xi32, #tpu.memory_space<vmem>>
      tpu.enqueue_dma source(%dma_start3A_405 : memref<80x64xi32, #tpu.memory_space<vmem>>) target(%dma_start3A_401 : memref<80x64xi32, #tpu.memory_space<hbm>>) target_semaphore(%dma_start3A_399 : memref<!tpu.dma_semaphore, #tpu.memory_space<semaphore_mem>>)
      %mul3A_406 = arith.constant 80 : i32
      %mul3A_407 = arith.muli %add3A_350, %mul3A_406 : i32
      %add3A_408 = arith.addi %mul3A_2, %mul3A_407 : i32
      %dma_start3A_409 = arith.constant 1 : i32
      %dma_start3A_410 = arith.constant 1 : i32
      %dma_start3A_411 = arith.constant 0 : i32
      %dma_start3A_412 = arith.constant 0 : i32
      %dma_start3A_413 = tpu.memref_slice %arg11[%dma_start3A_409, %dma_start3A_411, %dma_start3A_412] : memref<5x80x64xi32, #tpu.memory_space<vmem>> -> memref<1x80x64xi32, #tpu.memory_space<vmem>>
      %dma_start3A_414 = tpu.memref_squeeze %dma_start3A_413 : memref<1x80x64xi32, #tpu.memory_space<vmem>> -> memref<80x64xi32, #tpu.memory_space<vmem>>
      %dma_start3A_415 = arith.constant 0 : i32
      %dma_start3A_416 = tpu.memref_slice %arg7[%add3A_408, %dma_start3A_415] : memref<320000x64xi32, #tpu.memory_space<hbm>> -> memref<80x64xi32, #tpu.memory_space<hbm>>
      %dma_start3A_417 = tpu.memref_slice %arg13[%dma_start3A_410] : memref<5x!tpu.dma_semaphore, #tpu.memory_space<semaphore_mem>> -> memref<1x!tpu.dma_semaphore, #tpu.memory_space<semaphore_mem>>
      %dma_start3A_418 = tpu.memref_squeeze %dma_start3A_417 : memref<1x!tpu.dma_semaphore, #tpu.memory_space<semaphore_mem>> -> memref<!tpu.dma_semaphore, #tpu.memory_space<semaphore_mem>>
      %dma_start3A_419 = arith.constant 0 : i32
      %dma_start3A_420 = tpu.memref_slice %arg7[%add3A_408, %dma_start3A_419] : memref<320000x64xi32, #tpu.memory_space<hbm>> -> memref<80x64xi32, #tpu.memory_space<hbm>>
      %dma_start3A_421 = arith.constant 0 : i32
      %dma_start3A_422 = arith.constant 0 : i32
      %dma_start3A_423 = tpu.memref_slice %arg11[%dma_start3A_409, %dma_start3A_421, %dma_start3A_422] : memref<5x80x64xi32, #tpu.memory_space<vmem>> -> memref<1x80x64xi32, #tpu.memory_space<vmem>>
      %dma_start3A_424 = tpu.memref_squeeze %dma_start3A_423 : memref<1x80x64xi32, #tpu.memory_space<vmem>> -> memref<80x64xi32, #tpu.memory_space<vmem>>
      tpu.enqueue_dma source(%dma_start3A_424 : memref<80x64xi32, #tpu.memory_space<vmem>>) target(%dma_start3A_420 : memref<80x64xi32, #tpu.memory_space<hbm>>) target_semaphore(%dma_start3A_418 : memref<!tpu.dma_semaphore, #tpu.memory_space<semaphore_mem>>)
      %add3A_425 = arith.constant 3 : i32
      %add3A_426 = arith.addi %add3A_350, %add3A_425 : i32
      %lt3A_427 = arith.constant 125 : i32
      %lt3A_428 = arith.cmpi slt, %add3A_426, %lt3A_427 : i32
      %convert_element_type3A_429 = arith.extui %lt3A_428 : i1 to i32
      %cond3A_430 = arith.constant 0 : i32
      %cond3A_431 = arith.cmpi ne, %convert_element_type3A_429, %cond3A_430 : i32
      scf.if %cond3A_431 {
        %ge3A = arith.constant 2 : i32
        %ge3A_687 = arith.cmpi sge, %add3A_350, %ge3A : i32
        %convert_element_type3A_688 = arith.extui %ge3A_687 : i1 to i32
        %cond3A_689 = arith.constant 0 : i32
        %cond3A_690 = arith.cmpi ne, %convert_element_type3A_688, %cond3A_689 : i32
        scf.if %cond3A_690 {
          %dma_wait3A_721 = arith.constant 4 : i32
          %dma_wait3A_722 = arith.constant 4 : i32
          %dma_wait3A_723 = arith.constant 0 : i32
          %dma_wait3A_724 = arith.constant 0 : i32
          %dma_wait3A_725 = tpu.memref_slice %arg10[%dma_wait3A_721, %dma_wait3A_723, %dma_wait3A_724] : memref<5x80x64xi32, #tpu.memory_space<vmem>> -> memref<1x80x64xi32, #tpu.memory_space<vmem>>
          %dma_wait3A_726 = tpu.memref_squeeze %dma_wait3A_725 : memref<1x80x64xi32, #tpu.memory_space<vmem>> -> memref<80x64xi32, #tpu.memory_space<vmem>>
          %dma_wait3A_727 = arith.constant 0 : i32
          %dma_wait3A_728 = arith.constant 0 : i32
          %dma_wait3A_729 = tpu.memref_slice %arg2[%dma_wait3A_727, %dma_wait3A_728] : memref<10000x64xi32, #tpu.memory_space<hbm>> -> memref<80x64xi32, #tpu.memory_space<hbm>>
          %dma_wait3A_730 = tpu.memref_slice %arg13[%dma_wait3A_722] : memref<5x!tpu.dma_semaphore, #tpu.memory_space<semaphore_mem>> -> memref<1x!tpu.dma_semaphore, #tpu.memory_space<semaphore_mem>>
          %dma_wait3A_731 = tpu.memref_squeeze %dma_wait3A_730 : memref<1x!tpu.dma_semaphore, #tpu.memory_space<semaphore_mem>> -> memref<!tpu.dma_semaphore, #tpu.memory_space<semaphore_mem>>
          %dma_wait3A_732 = arith.constant 0 : i32
          %dma_wait3A_733 = arith.constant 0 : i32
          %dma_wait3A_734 = tpu.memref_slice %arg10[%dma_wait3A_721, %dma_wait3A_732, %dma_wait3A_733] : memref<5x80x64xi32, #tpu.memory_space<vmem>> -> memref<1x80x64xi32, #tpu.memory_space<vmem>>
          %dma_wait3A_735 = tpu.memref_squeeze %dma_wait3A_734 : memref<1x80x64xi32, #tpu.memory_space<vmem>> -> memref<80x64xi32, #tpu.memory_space<vmem>>
          %dma_wait3A_736 = arith.constant 0 : i32
          %dma_wait3A_737 = arith.constant 0 : i32
          %dma_wait3A_738 = tpu.memref_slice %arg2[%dma_wait3A_736, %dma_wait3A_737] : memref<10000x64xi32, #tpu.memory_space<hbm>> -> memref<80x64xi32, #tpu.memory_space<hbm>>
          tpu.wait_dma2 semaphore(%dma_wait3A_731 : memref<!tpu.dma_semaphore, #tpu.memory_space<semaphore_mem>>) src(%dma_wait3A_738 : memref<80x64xi32, #tpu.memory_space<hbm>>) dst(%dma_wait3A_735 : memref<80x64xi32, #tpu.memory_space<vmem>>)
          %dma_wait3A_739 = arith.constant 4 : i32
          %dma_wait3A_740 = arith.constant 4 : i32
          %dma_wait3A_741 = arith.constant 0 : i32
          %dma_wait3A_742 = arith.constant 0 : i32
          %dma_wait3A_743 = tpu.memref_slice %arg11[%dma_wait3A_739, %dma_wait3A_741, %dma_wait3A_742] : memref<5x80x64xi32, #tpu.memory_space<vmem>> -> memref<1x80x64xi32, #tpu.memory_space<vmem>>
          %dma_wait3A_744 = tpu.memref_squeeze %dma_wait3A_743 : memref<1x80x64xi32, #tpu.memory_space<vmem>> -> memref<80x64xi32, #tpu.memory_space<vmem>>
          %dma_wait3A_745 = arith.constant 0 : i32
          %dma_wait3A_746 = arith.constant 0 : i32
          %dma_wait3A_747 = tpu.memref_slice %arg2[%dma_wait3A_745, %dma_wait3A_746] : memref<10000x64xi32, #tpu.memory_space<hbm>> -> memref<80x64xi32, #tpu.memory_space<hbm>>
          %dma_wait3A_748 = tpu.memref_slice %arg13[%dma_wait3A_740] : memref<5x!tpu.dma_semaphore, #tpu.memory_space<semaphore_mem>> -> memref<1x!tpu.dma_semaphore, #tpu.memory_space<semaphore_mem>>
          %dma_wait3A_749 = tpu.memref_squeeze %dma_wait3A_748 : memref<1x!tpu.dma_semaphore, #tpu.memory_space<semaphore_mem>> -> memref<!tpu.dma_semaphore, #tpu.memory_space<semaphore_mem>>
          %dma_wait3A_750 = arith.constant 0 : i32
          %dma_wait3A_751 = arith.constant 0 : i32
          %dma_wait3A_752 = tpu.memref_slice %arg11[%dma_wait3A_739, %dma_wait3A_750, %dma_wait3A_751] : memref<5x80x64xi32, #tpu.memory_space<vmem>> -> memref<1x80x64xi32, #tpu.memory_space<vmem>>
          %dma_wait3A_753 = tpu.memref_squeeze %dma_wait3A_752 : memref<1x80x64xi32, #tpu.memory_space<vmem>> -> memref<80x64xi32, #tpu.memory_space<vmem>>
          %dma_wait3A_754 = arith.constant 0 : i32
          %dma_wait3A_755 = arith.constant 0 : i32
          %dma_wait3A_756 = tpu.memref_slice %arg2[%dma_wait3A_754, %dma_wait3A_755] : memref<10000x64xi32, #tpu.memory_space<hbm>> -> memref<80x64xi32, #tpu.memory_space<hbm>>
          tpu.wait_dma2 semaphore(%dma_wait3A_749 : memref<!tpu.dma_semaphore, #tpu.memory_space<semaphore_mem>>) src(%dma_wait3A_756 : memref<80x64xi32, #tpu.memory_space<hbm>>) dst(%dma_wait3A_753 : memref<80x64xi32, #tpu.memory_space<vmem>>)
        } else {
        }
        %add3A_691 = arith.constant 3 : i32
        %add3A_692 = arith.addi %add3A_350, %add3A_691 : i32
        %mul3A_693 = arith.constant 80 : i32
        %mul3A_694 = arith.muli %add3A_692, %mul3A_693 : i32
        %dma_start3A_695 = arith.constant 4 : i32
        %dma_start3A_696 = arith.constant 4 : i32
        %dma_start3A_697 = arith.constant 0 : i32
        %dma_start3A_698 = arith.constant 0 : i32
        %dma_start3A_699 = tpu.memref_slice %arg10[%dma_start3A_695, %dma_start3A_697, %dma_start3A_698] : memref<5x80x64xi32, #tpu.memory_space<vmem>> -> memref<1x80x64xi32, #tpu.memory_space<vmem>>
        %dma_start3A_700 = tpu.memref_squeeze %dma_start3A_699 : memref<1x80x64xi32, #tpu.memory_space<vmem>> -> memref<80x64xi32, #tpu.memory_space<vmem>>
        %dma_start3A_701 = tpu.memref_slice %arg8[%mul3A_694] : memref<10000xi32, #tpu.memory_space<vmem>> -> memref<80xi32, #tpu.memory_space<vmem>>
        %dma_start3A_702 = arith.constant 0 : i32
        %dma_start3A_703 = arith.constant 0 : i32
        %dma_start3A_704 = tpu.memref_slice %arg2[%dma_start3A_702, %dma_start3A_703] : memref<10000x64xi32, #tpu.memory_space<hbm>> -> memref<10000x64xi32, #tpu.memory_space<hbm>>
        %dma_start3A_705 = tpu.memref_slice %arg12[%dma_start3A_696] : memref<5x!tpu.dma_semaphore, #tpu.memory_space<semaphore_mem>> -> memref<1x!tpu.dma_semaphore, #tpu.memory_space<semaphore_mem>>
        %dma_start3A_706 = tpu.memref_squeeze %dma_start3A_705 : memref<1x!tpu.dma_semaphore, #tpu.memory_space<semaphore_mem>> -> memref<!tpu.dma_semaphore, #tpu.memory_space<semaphore_mem>>
        tpu.enqueue_indirect_dma source(%dma_start3A_704 : memref<10000x64xi32, #tpu.memory_space<hbm>>) target(%dma_start3A_700 : memref<80x64xi32, #tpu.memory_space<vmem>>) offsets(%dma_start3A_701 : memref<80xi32, #tpu.memory_space<vmem>>) semaphore(%dma_start3A_706 : memref<!tpu.dma_semaphore, #tpu.memory_space<semaphore_mem>>)
        %mul3A_707 = arith.constant 80 : i32
        %mul3A_708 = arith.muli %add3A_692, %mul3A_707 : i32
        %dma_start3A_709 = arith.constant 4 : i32
        %dma_start3A_710 = arith.constant 4 : i32
        %dma_start3A_711 = arith.constant 0 : i32
        %dma_start3A_712 = arith.constant 0 : i32
        %dma_start3A_713 = tpu.memref_slice %arg11[%dma_start3A_709, %dma_start3A_711, %dma_start3A_712] : memref<5x80x64xi32, #tpu.memory_space<vmem>> -> memref<1x80x64xi32, #tpu.memory_space<vmem>>
        %dma_start3A_714 = tpu.memref_squeeze %dma_start3A_713 : memref<1x80x64xi32, #tpu.memory_space<vmem>> -> memref<80x64xi32, #tpu.memory_space<vmem>>
        %dma_start3A_715 = tpu.memref_slice %arg9[%mul3A_708] : memref<10000xi32, #tpu.memory_space<vmem>> -> memref<80xi32, #tpu.memory_space<vmem>>
        %dma_start3A_716 = arith.constant 0 : i32
        %dma_start3A_717 = arith.constant 0 : i32
        %dma_start3A_718 = tpu.memref_slice %arg3[%dma_start3A_716, %dma_start3A_717] : memref<10000x64xi32, #tpu.memory_space<hbm>> -> memref<10000x64xi32, #tpu.memory_space<hbm>>
        %dma_start3A_719 = tpu.memref_slice %arg12[%dma_start3A_710] : memref<5x!tpu.dma_semaphore, #tpu.memory_space<semaphore_mem>> -> memref<1x!tpu.dma_semaphore, #tpu.memory_space<semaphore_mem>>
        %dma_start3A_720 = tpu.memref_squeeze %dma_start3A_719 : memref<1x!tpu.dma_semaphore, #tpu.memory_space<semaphore_mem>> -> memref<!tpu.dma_semaphore, #tpu.memory_space<semaphore_mem>>
        tpu.enqueue_indirect_dma source(%dma_start3A_718 : memref<10000x64xi32, #tpu.memory_space<hbm>>) target(%dma_start3A_714 : memref<80x64xi32, #tpu.memory_space<vmem>>) offsets(%dma_start3A_715 : memref<80xi32, #tpu.memory_space<vmem>>) semaphore(%dma_start3A_720 : memref<!tpu.dma_semaphore, #tpu.memory_space<semaphore_mem>>)
      } else {
      }
      %mul3A_432 = arith.constant 5 : i32
      %mul3A_433 = arith.muli %scan3A_264, %mul3A_432 : i32
      %add3A_434 = arith.constant 2 : i32
      %add3A_435 = arith.addi %mul3A_433, %add3A_434 : i32
      %dma_wait3A_436 = arith.constant 2 : i32
      %dma_wait3A_437 = arith.constant 2 : i32
      %dma_wait3A_438 = arith.constant 0 : i32
      %dma_wait3A_439 = arith.constant 0 : i32
      %dma_wait3A_440 = tpu.memref_slice %arg10[%dma_wait3A_436, %dma_wait3A_438, %dma_wait3A_439] : memref<5x80x64xi32, #tpu.memory_space<vmem>> -> memref<1x80x64xi32, #tpu.memory_space<vmem>>
      %dma_wait3A_441 = tpu.memref_squeeze %dma_wait3A_440 : memref<1x80x64xi32, #tpu.memory_space<vmem>> -> memref<80x64xi32, #tpu.memory_space<vmem>>
      %dma_wait3A_442 = arith.constant 0 : i32
      %dma_wait3A_443 = arith.constant 0 : i32
      %dma_wait3A_444 = tpu.memref_slice %arg2[%dma_wait3A_442, %dma_wait3A_443] : memref<10000x64xi32, #tpu.memory_space<hbm>> -> memref<80x64xi32, #tpu.memory_space<hbm>>
      %dma_wait3A_445 = tpu.memref_slice %arg12[%dma_wait3A_437] : memref<5x!tpu.dma_semaphore, #tpu.memory_space<semaphore_mem>> -> memref<1x!tpu.dma_semaphore, #tpu.memory_space<semaphore_mem>>
      %dma_wait3A_446 = tpu.memref_squeeze %dma_wait3A_445 : memref<1x!tpu.dma_semaphore, #tpu.memory_space<semaphore_mem>> -> memref<!tpu.dma_semaphore, #tpu.memory_space<semaphore_mem>>
      %dma_wait3A_447 = arith.constant 0 : i32
      %dma_wait3A_448 = arith.constant 0 : i32
      %dma_wait3A_449 = tpu.memref_slice %arg10[%dma_wait3A_436, %dma_wait3A_447, %dma_wait3A_448] : memref<5x80x64xi32, #tpu.memory_space<vmem>> -> memref<1x80x64xi32, #tpu.memory_space<vmem>>
      %dma_wait3A_450 = tpu.memref_squeeze %dma_wait3A_449 : memref<1x80x64xi32, #tpu.memory_space<vmem>> -> memref<80x64xi32, #tpu.memory_space<vmem>>
      %dma_wait3A_451 = arith.constant 0 : i32
      %dma_wait3A_452 = arith.constant 0 : i32
      %dma_wait3A_453 = tpu.memref_slice %arg2[%dma_wait3A_451, %dma_wait3A_452] : memref<10000x64xi32, #tpu.memory_space<hbm>> -> memref<80x64xi32, #tpu.memory_space<hbm>>
      tpu.wait_dma2 semaphore(%dma_wait3A_446 : memref<!tpu.dma_semaphore, #tpu.memory_space<semaphore_mem>>) src(%dma_wait3A_453 : memref<80x64xi32, #tpu.memory_space<hbm>>) dst(%dma_wait3A_450 : memref<80x64xi32, #tpu.memory_space<vmem>>)
      %dma_wait3A_454 = arith.constant 2 : i32
      %dma_wait3A_455 = arith.constant 2 : i32
      %dma_wait3A_456 = arith.constant 0 : i32
      %dma_wait3A_457 = arith.constant 0 : i32
      %dma_wait3A_458 = tpu.memref_slice %arg11[%dma_wait3A_454, %dma_wait3A_456, %dma_wait3A_457] : memref<5x80x64xi32, #tpu.memory_space<vmem>> -> memref<1x80x64xi32, #tpu.memory_space<vmem>>
      %dma_wait3A_459 = tpu.memref_squeeze %dma_wait3A_458 : memref<1x80x64xi32, #tpu.memory_space<vmem>> -> memref<80x64xi32, #tpu.memory_space<vmem>>
      %dma_wait3A_460 = arith.constant 0 : i32
      %dma_wait3A_461 = arith.constant 0 : i32
      %dma_wait3A_462 = tpu.memref_slice %arg2[%dma_wait3A_460, %dma_wait3A_461] : memref<10000x64xi32, #tpu.memory_space<hbm>> -> memref<80x64xi32, #tpu.memory_space<hbm>>
      %dma_wait3A_463 = tpu.memref_slice %arg12[%dma_wait3A_455] : memref<5x!tpu.dma_semaphore, #tpu.memory_space<semaphore_mem>> -> memref<1x!tpu.dma_semaphore, #tpu.memory_space<semaphore_mem>>
      %dma_wait3A_464 = tpu.memref_squeeze %dma_wait3A_463 : memref<1x!tpu.dma_semaphore, #tpu.memory_space<semaphore_mem>> -> memref<!tpu.dma_semaphore, #tpu.memory_space<semaphore_mem>>
      %dma_wait3A_465 = arith.constant 0 : i32
      %dma_wait3A_466 = arith.constant 0 : i32
      %dma_wait3A_467 = tpu.memref_slice %arg11[%dma_wait3A_454, %dma_wait3A_465, %dma_wait3A_466] : memref<5x80x64xi32, #tpu.memory_space<vmem>> -> memref<1x80x64xi32, #tpu.memory_space<vmem>>
      %dma_wait3A_468 = tpu.memref_squeeze %dma_wait3A_467 : memref<1x80x64xi32, #tpu.memory_space<vmem>> -> memref<80x64xi32, #tpu.memory_space<vmem>>
      %dma_wait3A_469 = arith.constant 0 : i32
      %dma_wait3A_470 = arith.constant 0 : i32
      %dma_wait3A_471 = tpu.memref_slice %arg2[%dma_wait3A_469, %dma_wait3A_470] : memref<10000x64xi32, #tpu.memory_space<hbm>> -> memref<80x64xi32, #tpu.memory_space<hbm>>
      tpu.wait_dma2 semaphore(%dma_wait3A_464 : memref<!tpu.dma_semaphore, #tpu.memory_space<semaphore_mem>>) src(%dma_wait3A_471 : memref<80x64xi32, #tpu.memory_space<hbm>>) dst(%dma_wait3A_468 : memref<80x64xi32, #tpu.memory_space<vmem>>)
      %mul3A_472 = arith.constant 80 : i32
      %mul3A_473 = arith.muli %add3A_435, %mul3A_472 : i32
      %add3A_474 = arith.addi %mul3A_2, %mul3A_473 : i32
      %dma_start3A_475 = arith.constant 2 : i32
      %dma_start3A_476 = arith.constant 2 : i32
      %dma_start3A_477 = arith.constant 0 : i32
      %dma_start3A_478 = arith.constant 0 : i32
      %dma_start3A_479 = tpu.memref_slice %arg10[%dma_start3A_475, %dma_start3A_477, %dma_start3A_478] : memref<5x80x64xi32, #tpu.memory_space<vmem>> -> memref<1x80x64xi32, #tpu.memory_space<vmem>>
      %dma_start3A_480 = tpu.memref_squeeze %dma_start3A_479 : memref<1x80x64xi32, #tpu.memory_space<vmem>> -> memref<80x64xi32, #tpu.memory_space<vmem>>
      %dma_start3A_481 = arith.constant 0 : i32
      %dma_start3A_482 = tpu.memref_slice %arg6[%add3A_474, %dma_start3A_481] : memref<320000x64xi32, #tpu.memory_space<hbm>> -> memref<80x64xi32, #tpu.memory_space<hbm>>
      %dma_start3A_483 = tpu.memref_slice %arg13[%dma_start3A_476] : memref<5x!tpu.dma_semaphore, #tpu.memory_space<semaphore_mem>> -> memref<1x!tpu.dma_semaphore, #tpu.memory_space<semaphore_mem>>
      %dma_start3A_484 = tpu.memref_squeeze %dma_start3A_483 : memref<1x!tpu.dma_semaphore, #tpu.memory_space<semaphore_mem>> -> memref<!tpu.dma_semaphore, #tpu.memory_space<semaphore_mem>>
      %dma_start3A_485 = arith.constant 0 : i32
      %dma_start3A_486 = tpu.memref_slice %arg6[%add3A_474, %dma_start3A_485] : memref<320000x64xi32, #tpu.memory_space<hbm>> -> memref<80x64xi32, #tpu.memory_space<hbm>>
      %dma_start3A_487 = arith.constant 0 : i32
      %dma_start3A_488 = arith.constant 0 : i32
      %dma_start3A_489 = tpu.memref_slice %arg10[%dma_start3A_475, %dma_start3A_487, %dma_start3A_488] : memref<5x80x64xi32, #tpu.memory_space<vmem>> -> memref<1x80x64xi32, #tpu.memory_space<vmem>>
      %dma_start3A_490 = tpu.memref_squeeze %dma_start3A_489 : memref<1x80x64xi32, #tpu.memory_space<vmem>> -> memref<80x64xi32, #tpu.memory_space<vmem>>
      tpu.enqueue_dma source(%dma_start3A_490 : memref<80x64xi32, #tpu.memory_space<vmem>>) target(%dma_start3A_486 : memref<80x64xi32, #tpu.memory_space<hbm>>) target_semaphore(%dma_start3A_484 : memref<!tpu.dma_semaphore, #tpu.memory_space<semaphore_mem>>)
      %mul3A_491 = arith.constant 80 : i32
      %mul3A_492 = arith.muli %add3A_435, %mul3A_491 : i32
      %add3A_493 = arith.addi %mul3A_2, %mul3A_492 : i32
      %dma_start3A_494 = arith.constant 2 : i32
      %dma_start3A_495 = arith.constant 2 : i32
      %dma_start3A_496 = arith.constant 0 : i32
      %dma_start3A_497 = arith.constant 0 : i32
      %dma_start3A_498 = tpu.memref_slice %arg11[%dma_start3A_494, %dma_start3A_496, %dma_start3A_497] : memref<5x80x64xi32, #tpu.memory_space<vmem>> -> memref<1x80x64xi32, #tpu.memory_space<vmem>>
      %dma_start3A_499 = tpu.memref_squeeze %dma_start3A_498 : memref<1x80x64xi32, #tpu.memory_space<vmem>> -> memref<80x64xi32, #tpu.memory_space<vmem>>
      %dma_start3A_500 = arith.constant 0 : i32
      %dma_start3A_501 = tpu.memref_slice %arg7[%add3A_493, %dma_start3A_500] : memref<320000x64xi32, #tpu.memory_space<hbm>> -> memref<80x64xi32, #tpu.memory_space<hbm>>
      %dma_start3A_502 = tpu.memref_slice %arg13[%dma_start3A_495] : memref<5x!tpu.dma_semaphore, #tpu.memory_space<semaphore_mem>> -> memref<1x!tpu.dma_semaphore, #tpu.memory_space<semaphore_mem>>
      %dma_start3A_503 = tpu.memref_squeeze %dma_start3A_502 : memref<1x!tpu.dma_semaphore, #tpu.memory_space<semaphore_mem>> -> memref<!tpu.dma_semaphore, #tpu.memory_space<semaphore_mem>>
      %dma_start3A_504 = arith.constant 0 : i32
      %dma_start3A_505 = tpu.memref_slice %arg7[%add3A_493, %dma_start3A_504] : memref<320000x64xi32, #tpu.memory_space<hbm>> -> memref<80x64xi32, #tpu.memory_space<hbm>>
      %dma_start3A_506 = arith.constant 0 : i32
      %dma_start3A_507 = arith.constant 0 : i32
      %dma_start3A_508 = tpu.memref_slice %arg11[%dma_start3A_494, %dma_start3A_506, %dma_start3A_507] : memref<5x80x64xi32, #tpu.memory_space<vmem>> -> memref<1x80x64xi32, #tpu.memory_space<vmem>>
      %dma_start3A_509 = tpu.memref_squeeze %dma_start3A_508 : memref<1x80x64xi32, #tpu.memory_space<vmem>> -> memref<80x64xi32, #tpu.memory_space<vmem>>
      tpu.enqueue_dma source(%dma_start3A_509 : memref<80x64xi32, #tpu.memory_space<vmem>>) target(%dma_start3A_505 : memref<80x64xi32, #tpu.memory_space<hbm>>) target_semaphore(%dma_start3A_503 : memref<!tpu.dma_semaphore, #tpu.memory_space<semaphore_mem>>)
      %add3A_510 = arith.constant 3 : i32
      %add3A_511 = arith.addi %add3A_435, %add3A_510 : i32
      %lt3A_512 = arith.constant 125 : i32
      %lt3A_513 = arith.cmpi slt, %add3A_511, %lt3A_512 : i32
      %convert_element_type3A_514 = arith.extui %lt3A_513 : i1 to i32
      %cond3A_515 = arith.constant 0 : i32
      %cond3A_516 = arith.cmpi ne, %convert_element_type3A_514, %cond3A_515 : i32
      scf.if %cond3A_516 {
        %ge3A = arith.constant 2 : i32
        %ge3A_687 = arith.cmpi sge, %add3A_435, %ge3A : i32
        %convert_element_type3A_688 = arith.extui %ge3A_687 : i1 to i32
        %cond3A_689 = arith.constant 0 : i32
        %cond3A_690 = arith.cmpi ne, %convert_element_type3A_688, %cond3A_689 : i32
        scf.if %cond3A_690 {
          %dma_wait3A_721 = arith.constant 0 : i32
          %dma_wait3A_722 = arith.constant 0 : i32
          %dma_wait3A_723 = arith.constant 0 : i32
          %dma_wait3A_724 = arith.constant 0 : i32
          %dma_wait3A_725 = tpu.memref_slice %arg10[%dma_wait3A_721, %dma_wait3A_723, %dma_wait3A_724] : memref<5x80x64xi32, #tpu.memory_space<vmem>> -> memref<1x80x64xi32, #tpu.memory_space<vmem>>
          %dma_wait3A_726 = tpu.memref_squeeze %dma_wait3A_725 : memref<1x80x64xi32, #tpu.memory_space<vmem>> -> memref<80x64xi32, #tpu.memory_space<vmem>>
          %dma_wait3A_727 = arith.constant 0 : i32
          %dma_wait3A_728 = arith.constant 0 : i32
          %dma_wait3A_729 = tpu.memref_slice %arg2[%dma_wait3A_727, %dma_wait3A_728] : memref<10000x64xi32, #tpu.memory_space<hbm>> -> memref<80x64xi32, #tpu.memory_space<hbm>>
          %dma_wait3A_730 = tpu.memref_slice %arg13[%dma_wait3A_722] : memref<5x!tpu.dma_semaphore, #tpu.memory_space<semaphore_mem>> -> memref<1x!tpu.dma_semaphore, #tpu.memory_space<semaphore_mem>>
          %dma_wait3A_731 = tpu.memref_squeeze %dma_wait3A_730 : memref<1x!tpu.dma_semaphore, #tpu.memory_space<semaphore_mem>> -> memref<!tpu.dma_semaphore, #tpu.memory_space<semaphore_mem>>
          %dma_wait3A_732 = arith.constant 0 : i32
          %dma_wait3A_733 = arith.constant 0 : i32
          %dma_wait3A_734 = tpu.memref_slice %arg10[%dma_wait3A_721, %dma_wait3A_732, %dma_wait3A_733] : memref<5x80x64xi32, #tpu.memory_space<vmem>> -> memref<1x80x64xi32, #tpu.memory_space<vmem>>
          %dma_wait3A_735 = tpu.memref_squeeze %dma_wait3A_734 : memref<1x80x64xi32, #tpu.memory_space<vmem>> -> memref<80x64xi32, #tpu.memory_space<vmem>>
          %dma_wait3A_736 = arith.constant 0 : i32
          %dma_wait3A_737 = arith.constant 0 : i32
          %dma_wait3A_738 = tpu.memref_slice %arg2[%dma_wait3A_736, %dma_wait3A_737] : memref<10000x64xi32, #tpu.memory_space<hbm>> -> memref<80x64xi32, #tpu.memory_space<hbm>>
          tpu.wait_dma2 semaphore(%dma_wait3A_731 : memref<!tpu.dma_semaphore, #tpu.memory_space<semaphore_mem>>) src(%dma_wait3A_738 : memref<80x64xi32, #tpu.memory_space<hbm>>) dst(%dma_wait3A_735 : memref<80x64xi32, #tpu.memory_space<vmem>>)
          %dma_wait3A_739 = arith.constant 0 : i32
          %dma_wait3A_740 = arith.constant 0 : i32
          %dma_wait3A_741 = arith.constant 0 : i32
          %dma_wait3A_742 = arith.constant 0 : i32
          %dma_wait3A_743 = tpu.memref_slice %arg11[%dma_wait3A_739, %dma_wait3A_741, %dma_wait3A_742] : memref<5x80x64xi32, #tpu.memory_space<vmem>> -> memref<1x80x64xi32, #tpu.memory_space<vmem>>
          %dma_wait3A_744 = tpu.memref_squeeze %dma_wait3A_743 : memref<1x80x64xi32, #tpu.memory_space<vmem>> -> memref<80x64xi32, #tpu.memory_space<vmem>>
          %dma_wait3A_745 = arith.constant 0 : i32
          %dma_wait3A_746 = arith.constant 0 : i32
          %dma_wait3A_747 = tpu.memref_slice %arg2[%dma_wait3A_745, %dma_wait3A_746] : memref<10000x64xi32, #tpu.memory_space<hbm>> -> memref<80x64xi32, #tpu.memory_space<hbm>>
          %dma_wait3A_748 = tpu.memref_slice %arg13[%dma_wait3A_740] : memref<5x!tpu.dma_semaphore, #tpu.memory_space<semaphore_mem>> -> memref<1x!tpu.dma_semaphore, #tpu.memory_space<semaphore_mem>>
          %dma_wait3A_749 = tpu.memref_squeeze %dma_wait3A_748 : memref<1x!tpu.dma_semaphore, #tpu.memory_space<semaphore_mem>> -> memref<!tpu.dma_semaphore, #tpu.memory_space<semaphore_mem>>
          %dma_wait3A_750 = arith.constant 0 : i32
          %dma_wait3A_751 = arith.constant 0 : i32
          %dma_wait3A_752 = tpu.memref_slice %arg11[%dma_wait3A_739, %dma_wait3A_750, %dma_wait3A_751] : memref<5x80x64xi32, #tpu.memory_space<vmem>> -> memref<1x80x64xi32, #tpu.memory_space<vmem>>
          %dma_wait3A_753 = tpu.memref_squeeze %dma_wait3A_752 : memref<1x80x64xi32, #tpu.memory_space<vmem>> -> memref<80x64xi32, #tpu.memory_space<vmem>>
          %dma_wait3A_754 = arith.constant 0 : i32
          %dma_wait3A_755 = arith.constant 0 : i32
          %dma_wait3A_756 = tpu.memref_slice %arg2[%dma_wait3A_754, %dma_wait3A_755] : memref<10000x64xi32, #tpu.memory_space<hbm>> -> memref<80x64xi32, #tpu.memory_space<hbm>>
          tpu.wait_dma2 semaphore(%dma_wait3A_749 : memref<!tpu.dma_semaphore, #tpu.memory_space<semaphore_mem>>) src(%dma_wait3A_756 : memref<80x64xi32, #tpu.memory_space<hbm>>) dst(%dma_wait3A_753 : memref<80x64xi32, #tpu.memory_space<vmem>>)
        } else {
        }
        %add3A_691 = arith.constant 3 : i32
        %add3A_692 = arith.addi %add3A_435, %add3A_691 : i32
        %mul3A_693 = arith.constant 80 : i32
        %mul3A_694 = arith.muli %add3A_692, %mul3A_693 : i32
        %dma_start3A_695 = arith.constant 0 : i32
        %dma_start3A_696 = arith.constant 0 : i32
        %dma_start3A_697 = arith.constant 0 : i32
        %dma_start3A_698 = arith.constant 0 : i32
        %dma_start3A_699 = tpu.memref_slice %arg10[%dma_start3A_695, %dma_start3A_697, %dma_start3A_698] : memref<5x80x64xi32, #tpu.memory_space<vmem>> -> memref<1x80x64xi32, #tpu.memory_space<vmem>>
        %dma_start3A_700 = tpu.memref_squeeze %dma_start3A_699 : memref<1x80x64xi32, #tpu.memory_space<vmem>> -> memref<80x64xi32, #tpu.memory_space<vmem>>
        %dma_start3A_701 = tpu.memref_slice %arg8[%mul3A_694] : memref<10000xi32, #tpu.memory_space<vmem>> -> memref<80xi32, #tpu.memory_space<vmem>>
        %dma_start3A_702 = arith.constant 0 : i32
        %dma_start3A_703 = arith.constant 0 : i32
        %dma_start3A_704 = tpu.memref_slice %arg2[%dma_start3A_702, %dma_start3A_703] : memref<10000x64xi32, #tpu.memory_space<hbm>> -> memref<10000x64xi32, #tpu.memory_space<hbm>>
        %dma_start3A_705 = tpu.memref_slice %arg12[%dma_start3A_696] : memref<5x!tpu.dma_semaphore, #tpu.memory_space<semaphore_mem>> -> memref<1x!tpu.dma_semaphore, #tpu.memory_space<semaphore_mem>>
        %dma_start3A_706 = tpu.memref_squeeze %dma_start3A_705 : memref<1x!tpu.dma_semaphore, #tpu.memory_space<semaphore_mem>> -> memref<!tpu.dma_semaphore, #tpu.memory_space<semaphore_mem>>
        tpu.enqueue_indirect_dma source(%dma_start3A_704 : memref<10000x64xi32, #tpu.memory_space<hbm>>) target(%dma_start3A_700 : memref<80x64xi32, #tpu.memory_space<vmem>>) offsets(%dma_start3A_701 : memref<80xi32, #tpu.memory_space<vmem>>) semaphore(%dma_start3A_706 : memref<!tpu.dma_semaphore, #tpu.memory_space<semaphore_mem>>)
        %mul3A_707 = arith.constant 80 : i32
        %mul3A_708 = arith.muli %add3A_692, %mul3A_707 : i32
        %dma_start3A_709 = arith.constant 0 : i32
        %dma_start3A_710 = arith.constant 0 : i32
        %dma_start3A_711 = arith.constant 0 : i32
        %dma_start3A_712 = arith.constant 0 : i32
        %dma_start3A_713 = tpu.memref_slice %arg11[%dma_start3A_709, %dma_start3A_711, %dma_start3A_712] : memref<5x80x64xi32, #tpu.memory_space<vmem>> -> memref<1x80x64xi32, #tpu.memory_space<vmem>>
        %dma_start3A_714 = tpu.memref_squeeze %dma_start3A_713 : memref<1x80x64xi32, #tpu.memory_space<vmem>> -> memref<80x64xi32, #tpu.memory_space<vmem>>
        %dma_start3A_715 = tpu.memref_slice %arg9[%mul3A_708] : memref<10000xi32, #tpu.memory_space<vmem>> -> memref<80xi32, #tpu.memory_space<vmem>>
        %dma_start3A_716 = arith.constant 0 : i32
        %dma_start3A_717 = arith.constant 0 : i32
        %dma_start3A_718 = tpu.memref_slice %arg3[%dma_start3A_716, %dma_start3A_717] : memref<10000x64xi32, #tpu.memory_space<hbm>> -> memref<10000x64xi32, #tpu.memory_space<hbm>>
        %dma_start3A_719 = tpu.memref_slice %arg12[%dma_start3A_710] : memref<5x!tpu.dma_semaphore, #tpu.memory_space<semaphore_mem>> -> memref<1x!tpu.dma_semaphore, #tpu.memory_space<semaphore_mem>>
        %dma_start3A_720 = tpu.memref_squeeze %dma_start3A_719 : memref<1x!tpu.dma_semaphore, #tpu.memory_space<semaphore_mem>> -> memref<!tpu.dma_semaphore, #tpu.memory_space<semaphore_mem>>
        tpu.enqueue_indirect_dma source(%dma_start3A_718 : memref<10000x64xi32, #tpu.memory_space<hbm>>) target(%dma_start3A_714 : memref<80x64xi32, #tpu.memory_space<vmem>>) offsets(%dma_start3A_715 : memref<80xi32, #tpu.memory_space<vmem>>) semaphore(%dma_start3A_720 : memref<!tpu.dma_semaphore, #tpu.memory_space<semaphore_mem>>)
      } else {
      }
      %mul3A_517 = arith.constant 5 : i32
      %mul3A_518 = arith.muli %scan3A_264, %mul3A_517 : i32
      %add3A_519 = arith.constant 3 : i32
      %add3A_520 = arith.addi %mul3A_518, %add3A_519 : i32
      %dma_wait3A_521 = arith.constant 3 : i32
      %dma_wait3A_522 = arith.constant 3 : i32
      %dma_wait3A_523 = arith.constant 0 : i32
      %dma_wait3A_524 = arith.constant 0 : i32
      %dma_wait3A_525 = tpu.memref_slice %arg10[%dma_wait3A_521, %dma_wait3A_523, %dma_wait3A_524] : memref<5x80x64xi32, #tpu.memory_space<vmem>> -> memref<1x80x64xi32, #tpu.memory_space<vmem>>
      %dma_wait3A_526 = tpu.memref_squeeze %dma_wait3A_525 : memref<1x80x64xi32, #tpu.memory_space<vmem>> -> memref<80x64xi32, #tpu.memory_space<vmem>>
      %dma_wait3A_527 = arith.constant 0 : i32
      %dma_wait3A_528 = arith.constant 0 : i32
      %dma_wait3A_529 = tpu.memref_slice %arg2[%dma_wait3A_527, %dma_wait3A_528] : memref<10000x64xi32, #tpu.memory_space<hbm>> -> memref<80x64xi32, #tpu.memory_space<hbm>>
      %dma_wait3A_530 = tpu.memref_slice %arg12[%dma_wait3A_522] : memref<5x!tpu.dma_semaphore, #tpu.memory_space<semaphore_mem>> -> memref<1x!tpu.dma_semaphore, #tpu.memory_space<semaphore_mem>>
      %dma_wait3A_531 = tpu.memref_squeeze %dma_wait3A_530 : memref<1x!tpu.dma_semaphore, #tpu.memory_space<semaphore_mem>> -> memref<!tpu.dma_semaphore, #tpu.memory_space<semaphore_mem>>
      %dma_wait3A_532 = arith.constant 0 : i32
      %dma_wait3A_533 = arith.constant 0 : i32
      %dma_wait3A_534 = tpu.memref_slice %arg10[%dma_wait3A_521, %dma_wait3A_532, %dma_wait3A_533] : memref<5x80x64xi32, #tpu.memory_space<vmem>> -> memref<1x80x64xi32, #tpu.memory_space<vmem>>
      %dma_wait3A_535 = tpu.memref_squeeze %dma_wait3A_534 : memref<1x80x64xi32, #tpu.memory_space<vmem>> -> memref<80x64xi32, #tpu.memory_space<vmem>>
      %dma_wait3A_536 = arith.constant 0 : i32
      %dma_wait3A_537 = arith.constant 0 : i32
      %dma_wait3A_538 = tpu.memref_slice %arg2[%dma_wait3A_536, %dma_wait3A_537] : memref<10000x64xi32, #tpu.memory_space<hbm>> -> memref<80x64xi32, #tpu.memory_space<hbm>>
      tpu.wait_dma2 semaphore(%dma_wait3A_531 : memref<!tpu.dma_semaphore, #tpu.memory_space<semaphore_mem>>) src(%dma_wait3A_538 : memref<80x64xi32, #tpu.memory_space<hbm>>) dst(%dma_wait3A_535 : memref<80x64xi32, #tpu.memory_space<vmem>>)
      %dma_wait3A_539 = arith.constant 3 : i32
      %dma_wait3A_540 = arith.constant 3 : i32
      %dma_wait3A_541 = arith.constant 0 : i32
      %dma_wait3A_542 = arith.constant 0 : i32
      %dma_wait3A_543 = tpu.memref_slice %arg11[%dma_wait3A_539, %dma_wait3A_541, %dma_wait3A_542] : memref<5x80x64xi32, #tpu.memory_space<vmem>> -> memref<1x80x64xi32, #tpu.memory_space<vmem>>
      %dma_wait3A_544 = tpu.memref_squeeze %dma_wait3A_543 : memref<1x80x64xi32, #tpu.memory_space<vmem>> -> memref<80x64xi32, #tpu.memory_space<vmem>>
      %dma_wait3A_545 = arith.constant 0 : i32
      %dma_wait3A_546 = arith.constant 0 : i32
      %dma_wait3A_547 = tpu.memref_slice %arg2[%dma_wait3A_545, %dma_wait3A_546] : memref<10000x64xi32, #tpu.memory_space<hbm>> -> memref<80x64xi32, #tpu.memory_space<hbm>>
      %dma_wait3A_548 = tpu.memref_slice %arg12[%dma_wait3A_540] : memref<5x!tpu.dma_semaphore, #tpu.memory_space<semaphore_mem>> -> memref<1x!tpu.dma_semaphore, #tpu.memory_space<semaphore_mem>>
      %dma_wait3A_549 = tpu.memref_squeeze %dma_wait3A_548 : memref<1x!tpu.dma_semaphore, #tpu.memory_space<semaphore_mem>> -> memref<!tpu.dma_semaphore, #tpu.memory_space<semaphore_mem>>
      %dma_wait3A_550 = arith.constant 0 : i32
      %dma_wait3A_551 = arith.constant 0 : i32
      %dma_wait3A_552 = tpu.memref_slice %arg11[%dma_wait3A_539, %dma_wait3A_550, %dma_wait3A_551] : memref<5x80x64xi32, #tpu.memory_space<vmem>> -> memref<1x80x64xi32, #tpu.memory_space<vmem>>
      %dma_wait3A_553 = tpu.memref_squeeze %dma_wait3A_552 : memref<1x80x64xi32, #tpu.memory_space<vmem>> -> memref<80x64xi32, #tpu.memory_space<vmem>>
      %dma_wait3A_554 = arith.constant 0 : i32
      %dma_wait3A_555 = arith.constant 0 : i32
      %dma_wait3A_556 = tpu.memref_slice %arg2[%dma_wait3A_554, %dma_wait3A_555] : memref<10000x64xi32, #tpu.memory_space<hbm>> -> memref<80x64xi32, #tpu.memory_space<hbm>>
      tpu.wait_dma2 semaphore(%dma_wait3A_549 : memref<!tpu.dma_semaphore, #tpu.memory_space<semaphore_mem>>) src(%dma_wait3A_556 : memref<80x64xi32, #tpu.memory_space<hbm>>) dst(%dma_wait3A_553 : memref<80x64xi32, #tpu.memory_space<vmem>>)
      %mul3A_557 = arith.constant 80 : i32
      %mul3A_558 = arith.muli %add3A_520, %mul3A_557 : i32
      %add3A_559 = arith.addi %mul3A_2, %mul3A_558 : i32
      %dma_start3A_560 = arith.constant 3 : i32
      %dma_start3A_561 = arith.constant 3 : i32
      %dma_start3A_562 = arith.constant 0 : i32
      %dma_start3A_563 = arith.constant 0 : i32
      %dma_start3A_564 = tpu.memref_slice %arg10[%dma_start3A_560, %dma_start3A_562, %dma_start3A_563] : memref<5x80x64xi32, #tpu.memory_space<vmem>> -> memref<1x80x64xi32, #tpu.memory_space<vmem>>
      %dma_start3A_565 = tpu.memref_squeeze %dma_start3A_564 : memref<1x80x64xi32, #tpu.memory_space<vmem>> -> memref<80x64xi32, #tpu.memory_space<vmem>>
      %dma_start3A_566 = arith.constant 0 : i32
      %dma_start3A_567 = tpu.memref_slice %arg6[%add3A_559, %dma_start3A_566] : memref<320000x64xi32, #tpu.memory_space<hbm>> -> memref<80x64xi32, #tpu.memory_space<hbm>>
      %dma_start3A_568 = tpu.memref_slice %arg13[%dma_start3A_561] : memref<5x!tpu.dma_semaphore, #tpu.memory_space<semaphore_mem>> -> memref<1x!tpu.dma_semaphore, #tpu.memory_space<semaphore_mem>>
      %dma_start3A_569 = tpu.memref_squeeze %dma_start3A_568 : memref<1x!tpu.dma_semaphore, #tpu.memory_space<semaphore_mem>> -> memref<!tpu.dma_semaphore, #tpu.memory_space<semaphore_mem>>
      %dma_start3A_570 = arith.constant 0 : i32
      %dma_start3A_571 = tpu.memref_slice %arg6[%add3A_559, %dma_start3A_570] : memref<320000x64xi32, #tpu.memory_space<hbm>> -> memref<80x64xi32, #tpu.memory_space<hbm>>
      %dma_start3A_572 = arith.constant 0 : i32
      %dma_start3A_573 = arith.constant 0 : i32
      %dma_start3A_574 = tpu.memref_slice %arg10[%dma_start3A_560, %dma_start3A_572, %dma_start3A_573] : memref<5x80x64xi32, #tpu.memory_space<vmem>> -> memref<1x80x64xi32, #tpu.memory_space<vmem>>
      %dma_start3A_575 = tpu.memref_squeeze %dma_start3A_574 : memref<1x80x64xi32, #tpu.memory_space<vmem>> -> memref<80x64xi32, #tpu.memory_space<vmem>>
      tpu.enqueue_dma source(%dma_start3A_575 : memref<80x64xi32, #tpu.memory_space<vmem>>) target(%dma_start3A_571 : memref<80x64xi32, #tpu.memory_space<hbm>>) target_semaphore(%dma_start3A_569 : memref<!tpu.dma_semaphore, #tpu.memory_space<semaphore_mem>>)
      %mul3A_576 = arith.constant 80 : i32
      %mul3A_577 = arith.muli %add3A_520, %mul3A_576 : i32
      %add3A_578 = arith.addi %mul3A_2, %mul3A_577 : i32
      %dma_start3A_579 = arith.constant 3 : i32
      %dma_start3A_580 = arith.constant 3 : i32
      %dma_start3A_581 = arith.constant 0 : i32
      %dma_start3A_582 = arith.constant 0 : i32
      %dma_start3A_583 = tpu.memref_slice %arg11[%dma_start3A_579, %dma_start3A_581, %dma_start3A_582] : memref<5x80x64xi32, #tpu.memory_space<vmem>> -> memref<1x80x64xi32, #tpu.memory_space<vmem>>
      %dma_start3A_584 = tpu.memref_squeeze %dma_start3A_583 : memref<1x80x64xi32, #tpu.memory_space<vmem>> -> memref<80x64xi32, #tpu.memory_space<vmem>>
      %dma_start3A_585 = arith.constant 0 : i32
      %dma_start3A_586 = tpu.memref_slice %arg7[%add3A_578, %dma_start3A_585] : memref<320000x64xi32, #tpu.memory_space<hbm>> -> memref<80x64xi32, #tpu.memory_space<hbm>>
      %dma_start3A_587 = tpu.memref_slice %arg13[%dma_start3A_580] : memref<5x!tpu.dma_semaphore, #tpu.memory_space<semaphore_mem>> -> memref<1x!tpu.dma_semaphore, #tpu.memory_space<semaphore_mem>>
      %dma_start3A_588 = tpu.memref_squeeze %dma_start3A_587 : memref<1x!tpu.dma_semaphore, #tpu.memory_space<semaphore_mem>> -> memref<!tpu.dma_semaphore, #tpu.memory_space<semaphore_mem>>
      %dma_start3A_589 = arith.constant 0 : i32
      %dma_start3A_590 = tpu.memref_slice %arg7[%add3A_578, %dma_start3A_589] : memref<320000x64xi32, #tpu.memory_space<hbm>> -> memref<80x64xi32, #tpu.memory_space<hbm>>
      %dma_start3A_591 = arith.constant 0 : i32
      %dma_start3A_592 = arith.constant 0 : i32
      %dma_start3A_593 = tpu.memref_slice %arg11[%dma_start3A_579, %dma_start3A_591, %dma_start3A_592] : memref<5x80x64xi32, #tpu.memory_space<vmem>> -> memref<1x80x64xi32, #tpu.memory_space<vmem>>
      %dma_start3A_594 = tpu.memref_squeeze %dma_start3A_593 : memref<1x80x64xi32, #tpu.memory_space<vmem>> -> memref<80x64xi32, #tpu.memory_space<vmem>>
      tpu.enqueue_dma source(%dma_start3A_594 : memref<80x64xi32, #tpu.memory_space<vmem>>) target(%dma_start3A_590 : memref<80x64xi32, #tpu.memory_space<hbm>>) target_semaphore(%dma_start3A_588 : memref<!tpu.dma_semaphore, #tpu.memory_space<semaphore_mem>>)
      %add3A_595 = arith.constant 3 : i32
      %add3A_596 = arith.addi %add3A_520, %add3A_595 : i32
      %lt3A_597 = arith.constant 125 : i32
      %lt3A_598 = arith.cmpi slt, %add3A_596, %lt3A_597 : i32
      %convert_element_type3A_599 = arith.extui %lt3A_598 : i1 to i32
      %cond3A_600 = arith.constant 0 : i32
      %cond3A_601 = arith.cmpi ne, %convert_element_type3A_599, %cond3A_600 : i32
      scf.if %cond3A_601 {
        %ge3A = arith.constant 2 : i32
        %ge3A_687 = arith.cmpi sge, %add3A_520, %ge3A : i32
        %convert_element_type3A_688 = arith.extui %ge3A_687 : i1 to i32
        %cond3A_689 = arith.constant 0 : i32
        %cond3A_690 = arith.cmpi ne, %convert_element_type3A_688, %cond3A_689 : i32
        scf.if %cond3A_690 {
          %dma_wait3A_721 = arith.constant 1 : i32
          %dma_wait3A_722 = arith.constant 1 : i32
          %dma_wait3A_723 = arith.constant 0 : i32
          %dma_wait3A_724 = arith.constant 0 : i32
          %dma_wait3A_725 = tpu.memref_slice %arg10[%dma_wait3A_721, %dma_wait3A_723, %dma_wait3A_724] : memref<5x80x64xi32, #tpu.memory_space<vmem>> -> memref<1x80x64xi32, #tpu.memory_space<vmem>>
          %dma_wait3A_726 = tpu.memref_squeeze %dma_wait3A_725 : memref<1x80x64xi32, #tpu.memory_space<vmem>> -> memref<80x64xi32, #tpu.memory_space<vmem>>
          %dma_wait3A_727 = arith.constant 0 : i32
          %dma_wait3A_728 = arith.constant 0 : i32
          %dma_wait3A_729 = tpu.memref_slice %arg2[%dma_wait3A_727, %dma_wait3A_728] : memref<10000x64xi32, #tpu.memory_space<hbm>> -> memref<80x64xi32, #tpu.memory_space<hbm>>
          %dma_wait3A_730 = tpu.memref_slice %arg13[%dma_wait3A_722] : memref<5x!tpu.dma_semaphore, #tpu.memory_space<semaphore_mem>> -> memref<1x!tpu.dma_semaphore, #tpu.memory_space<semaphore_mem>>
          %dma_wait3A_731 = tpu.memref_squeeze %dma_wait3A_730 : memref<1x!tpu.dma_semaphore, #tpu.memory_space<semaphore_mem>> -> memref<!tpu.dma_semaphore, #tpu.memory_space<semaphore_mem>>
          %dma_wait3A_732 = arith.constant 0 : i32
          %dma_wait3A_733 = arith.constant 0 : i32
          %dma_wait3A_734 = tpu.memref_slice %arg10[%dma_wait3A_721, %dma_wait3A_732, %dma_wait3A_733] : memref<5x80x64xi32, #tpu.memory_space<vmem>> -> memref<1x80x64xi32, #tpu.memory_space<vmem>>
          %dma_wait3A_735 = tpu.memref_squeeze %dma_wait3A_734 : memref<1x80x64xi32, #tpu.memory_space<vmem>> -> memref<80x64xi32, #tpu.memory_space<vmem>>
          %dma_wait3A_736 = arith.constant 0 : i32
          %dma_wait3A_737 = arith.constant 0 : i32
          %dma_wait3A_738 = tpu.memref_slice %arg2[%dma_wait3A_736, %dma_wait3A_737] : memref<10000x64xi32, #tpu.memory_space<hbm>> -> memref<80x64xi32, #tpu.memory_space<hbm>>
          tpu.wait_dma2 semaphore(%dma_wait3A_731 : memref<!tpu.dma_semaphore, #tpu.memory_space<semaphore_mem>>) src(%dma_wait3A_738 : memref<80x64xi32, #tpu.memory_space<hbm>>) dst(%dma_wait3A_735 : memref<80x64xi32, #tpu.memory_space<vmem>>)
          %dma_wait3A_739 = arith.constant 1 : i32
          %dma_wait3A_740 = arith.constant 1 : i32
          %dma_wait3A_741 = arith.constant 0 : i32
          %dma_wait3A_742 = arith.constant 0 : i32
          %dma_wait3A_743 = tpu.memref_slice %arg11[%dma_wait3A_739, %dma_wait3A_741, %dma_wait3A_742] : memref<5x80x64xi32, #tpu.memory_space<vmem>> -> memref<1x80x64xi32, #tpu.memory_space<vmem>>
          %dma_wait3A_744 = tpu.memref_squeeze %dma_wait3A_743 : memref<1x80x64xi32, #tpu.memory_space<vmem>> -> memref<80x64xi32, #tpu.memory_space<vmem>>
          %dma_wait3A_745 = arith.constant 0 : i32
          %dma_wait3A_746 = arith.constant 0 : i32
          %dma_wait3A_747 = tpu.memref_slice %arg2[%dma_wait3A_745, %dma_wait3A_746] : memref<10000x64xi32, #tpu.memory_space<hbm>> -> memref<80x64xi32, #tpu.memory_space<hbm>>
          %dma_wait3A_748 = tpu.memref_slice %arg13[%dma_wait3A_740] : memref<5x!tpu.dma_semaphore, #tpu.memory_space<semaphore_mem>> -> memref<1x!tpu.dma_semaphore, #tpu.memory_space<semaphore_mem>>
          %dma_wait3A_749 = tpu.memref_squeeze %dma_wait3A_748 : memref<1x!tpu.dma_semaphore, #tpu.memory_space<semaphore_mem>> -> memref<!tpu.dma_semaphore, #tpu.memory_space<semaphore_mem>>
          %dma_wait3A_750 = arith.constant 0 : i32
          %dma_wait3A_751 = arith.constant 0 : i32
          %dma_wait3A_752 = tpu.memref_slice %arg11[%dma_wait3A_739, %dma_wait3A_750, %dma_wait3A_751] : memref<5x80x64xi32, #tpu.memory_space<vmem>> -> memref<1x80x64xi32, #tpu.memory_space<vmem>>
          %dma_wait3A_753 = tpu.memref_squeeze %dma_wait3A_752 : memref<1x80x64xi32, #tpu.memory_space<vmem>> -> memref<80x64xi32, #tpu.memory_space<vmem>>
          %dma_wait3A_754 = arith.constant 0 : i32
          %dma_wait3A_755 = arith.constant 0 : i32
          %dma_wait3A_756 = tpu.memref_slice %arg2[%dma_wait3A_754, %dma_wait3A_755] : memref<10000x64xi32, #tpu.memory_space<hbm>> -> memref<80x64xi32, #tpu.memory_space<hbm>>
          tpu.wait_dma2 semaphore(%dma_wait3A_749 : memref<!tpu.dma_semaphore, #tpu.memory_space<semaphore_mem>>) src(%dma_wait3A_756 : memref<80x64xi32, #tpu.memory_space<hbm>>) dst(%dma_wait3A_753 : memref<80x64xi32, #tpu.memory_space<vmem>>)
        } else {
        }
        %add3A_691 = arith.constant 3 : i32
        %add3A_692 = arith.addi %add3A_520, %add3A_691 : i32
        %mul3A_693 = arith.constant 80 : i32
        %mul3A_694 = arith.muli %add3A_692, %mul3A_693 : i32
        %dma_start3A_695 = arith.constant 1 : i32
        %dma_start3A_696 = arith.constant 1 : i32
        %dma_start3A_697 = arith.constant 0 : i32
        %dma_start3A_698 = arith.constant 0 : i32
        %dma_start3A_699 = tpu.memref_slice %arg10[%dma_start3A_695, %dma_start3A_697, %dma_start3A_698] : memref<5x80x64xi32, #tpu.memory_space<vmem>> -> memref<1x80x64xi32, #tpu.memory_space<vmem>>
        %dma_start3A_700 = tpu.memref_squeeze %dma_start3A_699 : memref<1x80x64xi32, #tpu.memory_space<vmem>> -> memref<80x64xi32, #tpu.memory_space<vmem>>
        %dma_start3A_701 = tpu.memref_slice %arg8[%mul3A_694] : memref<10000xi32, #tpu.memory_space<vmem>> -> memref<80xi32, #tpu.memory_space<vmem>>
        %dma_start3A_702 = arith.constant 0 : i32
        %dma_start3A_703 = arith.constant 0 : i32
        %dma_start3A_704 = tpu.memref_slice %arg2[%dma_start3A_702, %dma_start3A_703] : memref<10000x64xi32, #tpu.memory_space<hbm>> -> memref<10000x64xi32, #tpu.memory_space<hbm>>
        %dma_start3A_705 = tpu.memref_slice %arg12[%dma_start3A_696] : memref<5x!tpu.dma_semaphore, #tpu.memory_space<semaphore_mem>> -> memref<1x!tpu.dma_semaphore, #tpu.memory_space<semaphore_mem>>
        %dma_start3A_706 = tpu.memref_squeeze %dma_start3A_705 : memref<1x!tpu.dma_semaphore, #tpu.memory_space<semaphore_mem>> -> memref<!tpu.dma_semaphore, #tpu.memory_space<semaphore_mem>>
        tpu.enqueue_indirect_dma source(%dma_start3A_704 : memref<10000x64xi32, #tpu.memory_space<hbm>>) target(%dma_start3A_700 : memref<80x64xi32, #tpu.memory_space<vmem>>) offsets(%dma_start3A_701 : memref<80xi32, #tpu.memory_space<vmem>>) semaphore(%dma_start3A_706 : memref<!tpu.dma_semaphore, #tpu.memory_space<semaphore_mem>>)
        %mul3A_707 = arith.constant 80 : i32
        %mul3A_708 = arith.muli %add3A_692, %mul3A_707 : i32
        %dma_start3A_709 = arith.constant 1 : i32
        %dma_start3A_710 = arith.constant 1 : i32
        %dma_start3A_711 = arith.constant 0 : i32
        %dma_start3A_712 = arith.constant 0 : i32
        %dma_start3A_713 = tpu.memref_slice %arg11[%dma_start3A_709, %dma_start3A_711, %dma_start3A_712] : memref<5x80x64xi32, #tpu.memory_space<vmem>> -> memref<1x80x64xi32, #tpu.memory_space<vmem>>
        %dma_start3A_714 = tpu.memref_squeeze %dma_start3A_713 : memref<1x80x64xi32, #tpu.memory_space<vmem>> -> memref<80x64xi32, #tpu.memory_space<vmem>>
        %dma_start3A_715 = tpu.memref_slice %arg9[%mul3A_708] : memref<10000xi32, #tpu.memory_space<vmem>> -> memref<80xi32, #tpu.memory_space<vmem>>
        %dma_start3A_716 = arith.constant 0 : i32
        %dma_start3A_717 = arith.constant 0 : i32
        %dma_start3A_718 = tpu.memref_slice %arg3[%dma_start3A_716, %dma_start3A_717] : memref<10000x64xi32, #tpu.memory_space<hbm>> -> memref<10000x64xi32, #tpu.memory_space<hbm>>
        %dma_start3A_719 = tpu.memref_slice %arg12[%dma_start3A_710] : memref<5x!tpu.dma_semaphore, #tpu.memory_space<semaphore_mem>> -> memref<1x!tpu.dma_semaphore, #tpu.memory_space<semaphore_mem>>
        %dma_start3A_720 = tpu.memref_squeeze %dma_start3A_719 : memref<1x!tpu.dma_semaphore, #tpu.memory_space<semaphore_mem>> -> memref<!tpu.dma_semaphore, #tpu.memory_space<semaphore_mem>>
        tpu.enqueue_indirect_dma source(%dma_start3A_718 : memref<10000x64xi32, #tpu.memory_space<hbm>>) target(%dma_start3A_714 : memref<80x64xi32, #tpu.memory_space<vmem>>) offsets(%dma_start3A_715 : memref<80xi32, #tpu.memory_space<vmem>>) semaphore(%dma_start3A_720 : memref<!tpu.dma_semaphore, #tpu.memory_space<semaphore_mem>>)
      } else {
      }
      %mul3A_602 = arith.constant 5 : i32
      %mul3A_603 = arith.muli %scan3A_264, %mul3A_602 : i32
      %add3A_604 = arith.constant 4 : i32
      %add3A_605 = arith.addi %mul3A_603, %add3A_604 : i32
      %dma_wait3A_606 = arith.constant 4 : i32
      %dma_wait3A_607 = arith.constant 4 : i32
      %dma_wait3A_608 = arith.constant 0 : i32
      %dma_wait3A_609 = arith.constant 0 : i32
      %dma_wait3A_610 = tpu.memref_slice %arg10[%dma_wait3A_606, %dma_wait3A_608, %dma_wait3A_609] : memref<5x80x64xi32, #tpu.memory_space<vmem>> -> memref<1x80x64xi32, #tpu.memory_space<vmem>>
      %dma_wait3A_611 = tpu.memref_squeeze %dma_wait3A_610 : memref<1x80x64xi32, #tpu.memory_space<vmem>> -> memref<80x64xi32, #tpu.memory_space<vmem>>
      %dma_wait3A_612 = arith.constant 0 : i32
      %dma_wait3A_613 = arith.constant 0 : i32
      %dma_wait3A_614 = tpu.memref_slice %arg2[%dma_wait3A_612, %dma_wait3A_613] : memref<10000x64xi32, #tpu.memory_space<hbm>> -> memref<80x64xi32, #tpu.memory_space<hbm>>
      %dma_wait3A_615 = tpu.memref_slice %arg12[%dma_wait3A_607] : memref<5x!tpu.dma_semaphore, #tpu.memory_space<semaphore_mem>> -> memref<1x!tpu.dma_semaphore, #tpu.memory_space<semaphore_mem>>
      %dma_wait3A_616 = tpu.memref_squeeze %dma_wait3A_615 : memref<1x!tpu.dma_semaphore, #tpu.memory_space<semaphore_mem>> -> memref<!tpu.dma_semaphore, #tpu.memory_space<semaphore_mem>>
      %dma_wait3A_617 = arith.constant 0 : i32
      %dma_wait3A_618 = arith.constant 0 : i32
      %dma_wait3A_619 = tpu.memref_slice %arg10[%dma_wait3A_606, %dma_wait3A_617, %dma_wait3A_618] : memref<5x80x64xi32, #tpu.memory_space<vmem>> -> memref<1x80x64xi32, #tpu.memory_space<vmem>>
      %dma_wait3A_620 = tpu.memref_squeeze %dma_wait3A_619 : memref<1x80x64xi32, #tpu.memory_space<vmem>> -> memref<80x64xi32, #tpu.memory_space<vmem>>
      %dma_wait3A_621 = arith.constant 0 : i32
      %dma_wait3A_622 = arith.constant 0 : i32
      %dma_wait3A_623 = tpu.memref_slice %arg2[%dma_wait3A_621, %dma_wait3A_622] : memref<10000x64xi32, #tpu.memory_space<hbm>> -> memref<80x64xi32, #tpu.memory_space<hbm>>
      tpu.wait_dma2 semaphore(%dma_wait3A_616 : memref<!tpu.dma_semaphore, #tpu.memory_space<semaphore_mem>>) src(%dma_wait3A_623 : memref<80x64xi32, #tpu.memory_space<hbm>>) dst(%dma_wait3A_620 : memref<80x64xi32, #tpu.memory_space<vmem>>)
      %dma_wait3A_624 = arith.constant 4 : i32
      %dma_wait3A_625 = arith.constant 4 : i32
      %dma_wait3A_626 = arith.constant 0 : i32
      %dma_wait3A_627 = arith.constant 0 : i32
      %dma_wait3A_628 = tpu.memref_slice %arg11[%dma_wait3A_624, %dma_wait3A_626, %dma_wait3A_627] : memref<5x80x64xi32, #tpu.memory_space<vmem>> -> memref<1x80x64xi32, #tpu.memory_space<vmem>>
      %dma_wait3A_629 = tpu.memref_squeeze %dma_wait3A_628 : memref<1x80x64xi32, #tpu.memory_space<vmem>> -> memref<80x64xi32, #tpu.memory_space<vmem>>
      %dma_wait3A_630 = arith.constant 0 : i32
      %dma_wait3A_631 = arith.constant 0 : i32
      %dma_wait3A_632 = tpu.memref_slice %arg2[%dma_wait3A_630, %dma_wait3A_631] : memref<10000x64xi32, #tpu.memory_space<hbm>> -> memref<80x64xi32, #tpu.memory_space<hbm>>
      %dma_wait3A_633 = tpu.memref_slice %arg12[%dma_wait3A_625] : memref<5x!tpu.dma_semaphore, #tpu.memory_space<semaphore_mem>> -> memref<1x!tpu.dma_semaphore, #tpu.memory_space<semaphore_mem>>
      %dma_wait3A_634 = tpu.memref_squeeze %dma_wait3A_633 : memref<1x!tpu.dma_semaphore, #tpu.memory_space<semaphore_mem>> -> memref<!tpu.dma_semaphore, #tpu.memory_space<semaphore_mem>>
      %dma_wait3A_635 = arith.constant 0 : i32
      %dma_wait3A_636 = arith.constant 0 : i32
      %dma_wait3A_637 = tpu.memref_slice %arg11[%dma_wait3A_624, %dma_wait3A_635, %dma_wait3A_636] : memref<5x80x64xi32, #tpu.memory_space<vmem>> -> memref<1x80x64xi32, #tpu.memory_space<vmem>>
      %dma_wait3A_638 = tpu.memref_squeeze %dma_wait3A_637 : memref<1x80x64xi32, #tpu.memory_space<vmem>> -> memref<80x64xi32, #tpu.memory_space<vmem>>
      %dma_wait3A_639 = arith.constant 0 : i32
      %dma_wait3A_640 = arith.constant 0 : i32
      %dma_wait3A_641 = tpu.memref_slice %arg2[%dma_wait3A_639, %dma_wait3A_640] : memref<10000x64xi32, #tpu.memory_space<hbm>> -> memref<80x64xi32, #tpu.memory_space<hbm>>
      tpu.wait_dma2 semaphore(%dma_wait3A_634 : memref<!tpu.dma_semaphore, #tpu.memory_space<semaphore_mem>>) src(%dma_wait3A_641 : memref<80x64xi32, #tpu.memory_space<hbm>>) dst(%dma_wait3A_638 : memref<80x64xi32, #tpu.memory_space<vmem>>)
      %mul3A_642 = arith.constant 80 : i32
      %mul3A_643 = arith.muli %add3A_605, %mul3A_642 : i32
      %add3A_644 = arith.addi %mul3A_2, %mul3A_643 : i32
      %dma_start3A_645 = arith.constant 4 : i32
      %dma_start3A_646 = arith.constant 4 : i32
      %dma_start3A_647 = arith.constant 0 : i32
      %dma_start3A_648 = arith.constant 0 : i32
      %dma_start3A_649 = tpu.memref_slice %arg10[%dma_start3A_645, %dma_start3A_647, %dma_start3A_648] : memref<5x80x64xi32, #tpu.memory_space<vmem>> -> memref<1x80x64xi32, #tpu.memory_space<vmem>>
      %dma_start3A_650 = tpu.memref_squeeze %dma_start3A_649 : memref<1x80x64xi32, #tpu.memory_space<vmem>> -> memref<80x64xi32, #tpu.memory_space<vmem>>
      %dma_start3A_651 = arith.constant 0 : i32
      %dma_start3A_652 = tpu.memref_slice %arg6[%add3A_644, %dma_start3A_651] : memref<320000x64xi32, #tpu.memory_space<hbm>> -> memref<80x64xi32, #tpu.memory_space<hbm>>
      %dma_start3A_653 = tpu.memref_slice %arg13[%dma_start3A_646] : memref<5x!tpu.dma_semaphore, #tpu.memory_space<semaphore_mem>> -> memref<1x!tpu.dma_semaphore, #tpu.memory_space<semaphore_mem>>
      %dma_start3A_654 = tpu.memref_squeeze %dma_start3A_653 : memref<1x!tpu.dma_semaphore, #tpu.memory_space<semaphore_mem>> -> memref<!tpu.dma_semaphore, #tpu.memory_space<semaphore_mem>>
      %dma_start3A_655 = arith.constant 0 : i32
      %dma_start3A_656 = tpu.memref_slice %arg6[%add3A_644, %dma_start3A_655] : memref<320000x64xi32, #tpu.memory_space<hbm>> -> memref<80x64xi32, #tpu.memory_space<hbm>>
      %dma_start3A_657 = arith.constant 0 : i32
      %dma_start3A_658 = arith.constant 0 : i32
      %dma_start3A_659 = tpu.memref_slice %arg10[%dma_start3A_645, %dma_start3A_657, %dma_start3A_658] : memref<5x80x64xi32, #tpu.memory_space<vmem>> -> memref<1x80x64xi32, #tpu.memory_space<vmem>>
      %dma_start3A_660 = tpu.memref_squeeze %dma_start3A_659 : memref<1x80x64xi32, #tpu.memory_space<vmem>> -> memref<80x64xi32, #tpu.memory_space<vmem>>
      tpu.enqueue_dma source(%dma_start3A_660 : memref<80x64xi32, #tpu.memory_space<vmem>>) target(%dma_start3A_656 : memref<80x64xi32, #tpu.memory_space<hbm>>) target_semaphore(%dma_start3A_654 : memref<!tpu.dma_semaphore, #tpu.memory_space<semaphore_mem>>)
      %mul3A_661 = arith.constant 80 : i32
      %mul3A_662 = arith.muli %add3A_605, %mul3A_661 : i32
      %add3A_663 = arith.addi %mul3A_2, %mul3A_662 : i32
      %dma_start3A_664 = arith.constant 4 : i32
      %dma_start3A_665 = arith.constant 4 : i32
      %dma_start3A_666 = arith.constant 0 : i32
      %dma_start3A_667 = arith.constant 0 : i32
      %dma_start3A_668 = tpu.memref_slice %arg11[%dma_start3A_664, %dma_start3A_666, %dma_start3A_667] : memref<5x80x64xi32, #tpu.memory_space<vmem>> -> memref<1x80x64xi32, #tpu.memory_space<vmem>>
      %dma_start3A_669 = tpu.memref_squeeze %dma_start3A_668 : memref<1x80x64xi32, #tpu.memory_space<vmem>> -> memref<80x64xi32, #tpu.memory_space<vmem>>
      %dma_start3A_670 = arith.constant 0 : i32
      %dma_start3A_671 = tpu.memref_slice %arg7[%add3A_663, %dma_start3A_670] : memref<320000x64xi32, #tpu.memory_space<hbm>> -> memref<80x64xi32, #tpu.memory_space<hbm>>
      %dma_start3A_672 = tpu.memref_slice %arg13[%dma_start3A_665] : memref<5x!tpu.dma_semaphore, #tpu.memory_space<semaphore_mem>> -> memref<1x!tpu.dma_semaphore, #tpu.memory_space<semaphore_mem>>
      %dma_start3A_673 = tpu.memref_squeeze %dma_start3A_672 : memref<1x!tpu.dma_semaphore, #tpu.memory_space<semaphore_mem>> -> memref<!tpu.dma_semaphore, #tpu.memory_space<semaphore_mem>>
      %dma_start3A_674 = arith.constant 0 : i32
      %dma_start3A_675 = tpu.memref_slice %arg7[%add3A_663, %dma_start3A_674] : memref<320000x64xi32, #tpu.memory_space<hbm>> -> memref<80x64xi32, #tpu.memory_space<hbm>>
      %dma_start3A_676 = arith.constant 0 : i32
      %dma_start3A_677 = arith.constant 0 : i32
      %dma_start3A_678 = tpu.memref_slice %arg11[%dma_start3A_664, %dma_start3A_676, %dma_start3A_677] : memref<5x80x64xi32, #tpu.memory_space<vmem>> -> memref<1x80x64xi32, #tpu.memory_space<vmem>>
      %dma_start3A_679 = tpu.memref_squeeze %dma_start3A_678 : memref<1x80x64xi32, #tpu.memory_space<vmem>> -> memref<80x64xi32, #tpu.memory_space<vmem>>
      tpu.enqueue_dma source(%dma_start3A_679 : memref<80x64xi32, #tpu.memory_space<vmem>>) target(%dma_start3A_675 : memref<80x64xi32, #tpu.memory_space<hbm>>) target_semaphore(%dma_start3A_673 : memref<!tpu.dma_semaphore, #tpu.memory_space<semaphore_mem>>)
      %add3A_680 = arith.constant 3 : i32
      %add3A_681 = arith.addi %add3A_605, %add3A_680 : i32
      %lt3A_682 = arith.constant 125 : i32
      %lt3A_683 = arith.cmpi slt, %add3A_681, %lt3A_682 : i32
      %convert_element_type3A_684 = arith.extui %lt3A_683 : i1 to i32
      %cond3A_685 = arith.constant 0 : i32
      %cond3A_686 = arith.cmpi ne, %convert_element_type3A_684, %cond3A_685 : i32
      scf.if %cond3A_686 {
        %ge3A = arith.constant 2 : i32
        %ge3A_687 = arith.cmpi sge, %add3A_605, %ge3A : i32
        %convert_element_type3A_688 = arith.extui %ge3A_687 : i1 to i32
        %cond3A_689 = arith.constant 0 : i32
        %cond3A_690 = arith.cmpi ne, %convert_element_type3A_688, %cond3A_689 : i32
        scf.if %cond3A_690 {
          %dma_wait3A_721 = arith.constant 2 : i32
          %dma_wait3A_722 = arith.constant 2 : i32
          %dma_wait3A_723 = arith.constant 0 : i32
          %dma_wait3A_724 = arith.constant 0 : i32
          %dma_wait3A_725 = tpu.memref_slice %arg10[%dma_wait3A_721, %dma_wait3A_723, %dma_wait3A_724] : memref<5x80x64xi32, #tpu.memory_space<vmem>> -> memref<1x80x64xi32, #tpu.memory_space<vmem>>
          %dma_wait3A_726 = tpu.memref_squeeze %dma_wait3A_725 : memref<1x80x64xi32, #tpu.memory_space<vmem>> -> memref<80x64xi32, #tpu.memory_space<vmem>>
          %dma_wait3A_727 = arith.constant 0 : i32
          %dma_wait3A_728 = arith.constant 0 : i32
          %dma_wait3A_729 = tpu.memref_slice %arg2[%dma_wait3A_727, %dma_wait3A_728] : memref<10000x64xi32, #tpu.memory_space<hbm>> -> memref<80x64xi32, #tpu.memory_space<hbm>>
          %dma_wait3A_730 = tpu.memref_slice %arg13[%dma_wait3A_722] : memref<5x!tpu.dma_semaphore, #tpu.memory_space<semaphore_mem>> -> memref<1x!tpu.dma_semaphore, #tpu.memory_space<semaphore_mem>>
          %dma_wait3A_731 = tpu.memref_squeeze %dma_wait3A_730 : memref<1x!tpu.dma_semaphore, #tpu.memory_space<semaphore_mem>> -> memref<!tpu.dma_semaphore, #tpu.memory_space<semaphore_mem>>
          %dma_wait3A_732 = arith.constant 0 : i32
          %dma_wait3A_733 = arith.constant 0 : i32
          %dma_wait3A_734 = tpu.memref_slice %arg10[%dma_wait3A_721, %dma_wait3A_732, %dma_wait3A_733] : memref<5x80x64xi32, #tpu.memory_space<vmem>> -> memref<1x80x64xi32, #tpu.memory_space<vmem>>
          %dma_wait3A_735 = tpu.memref_squeeze %dma_wait3A_734 : memref<1x80x64xi32, #tpu.memory_space<vmem>> -> memref<80x64xi32, #tpu.memory_space<vmem>>
          %dma_wait3A_736 = arith.constant 0 : i32
          %dma_wait3A_737 = arith.constant 0 : i32
          %dma_wait3A_738 = tpu.memref_slice %arg2[%dma_wait3A_736, %dma_wait3A_737] : memref<10000x64xi32, #tpu.memory_space<hbm>> -> memref<80x64xi32, #tpu.memory_space<hbm>>
          tpu.wait_dma2 semaphore(%dma_wait3A_731 : memref<!tpu.dma_semaphore, #tpu.memory_space<semaphore_mem>>) src(%dma_wait3A_738 : memref<80x64xi32, #tpu.memory_space<hbm>>) dst(%dma_wait3A_735 : memref<80x64xi32, #tpu.memory_space<vmem>>)
          %dma_wait3A_739 = arith.constant 2 : i32
          %dma_wait3A_740 = arith.constant 2 : i32
          %dma_wait3A_741 = arith.constant 0 : i32
          %dma_wait3A_742 = arith.constant 0 : i32
          %dma_wait3A_743 = tpu.memref_slice %arg11[%dma_wait3A_739, %dma_wait3A_741, %dma_wait3A_742] : memref<5x80x64xi32, #tpu.memory_space<vmem>> -> memref<1x80x64xi32, #tpu.memory_space<vmem>>
          %dma_wait3A_744 = tpu.memref_squeeze %dma_wait3A_743 : memref<1x80x64xi32, #tpu.memory_space<vmem>> -> memref<80x64xi32, #tpu.memory_space<vmem>>
          %dma_wait3A_745 = arith.constant 0 : i32
          %dma_wait3A_746 = arith.constant 0 : i32
          %dma_wait3A_747 = tpu.memref_slice %arg2[%dma_wait3A_745, %dma_wait3A_746] : memref<10000x64xi32, #tpu.memory_space<hbm>> -> memref<80x64xi32, #tpu.memory_space<hbm>>
          %dma_wait3A_748 = tpu.memref_slice %arg13[%dma_wait3A_740] : memref<5x!tpu.dma_semaphore, #tpu.memory_space<semaphore_mem>> -> memref<1x!tpu.dma_semaphore, #tpu.memory_space<semaphore_mem>>
          %dma_wait3A_749 = tpu.memref_squeeze %dma_wait3A_748 : memref<1x!tpu.dma_semaphore, #tpu.memory_space<semaphore_mem>> -> memref<!tpu.dma_semaphore, #tpu.memory_space<semaphore_mem>>
          %dma_wait3A_750 = arith.constant 0 : i32
          %dma_wait3A_751 = arith.constant 0 : i32
          %dma_wait3A_752 = tpu.memref_slice %arg11[%dma_wait3A_739, %dma_wait3A_750, %dma_wait3A_751] : memref<5x80x64xi32, #tpu.memory_space<vmem>> -> memref<1x80x64xi32, #tpu.memory_space<vmem>>
          %dma_wait3A_753 = tpu.memref_squeeze %dma_wait3A_752 : memref<1x80x64xi32, #tpu.memory_space<vmem>> -> memref<80x64xi32, #tpu.memory_space<vmem>>
          %dma_wait3A_754 = arith.constant 0 : i32
          %dma_wait3A_755 = arith.constant 0 : i32
          %dma_wait3A_756 = tpu.memref_slice %arg2[%dma_wait3A_754, %dma_wait3A_755] : memref<10000x64xi32, #tpu.memory_space<hbm>> -> memref<80x64xi32, #tpu.memory_space<hbm>>
          tpu.wait_dma2 semaphore(%dma_wait3A_749 : memref<!tpu.dma_semaphore, #tpu.memory_space<semaphore_mem>>) src(%dma_wait3A_756 : memref<80x64xi32, #tpu.memory_space<hbm>>) dst(%dma_wait3A_753 : memref<80x64xi32, #tpu.memory_space<vmem>>)
        } else {
        }
        %add3A_691 = arith.constant 3 : i32
        %add3A_692 = arith.addi %add3A_605, %add3A_691 : i32
        %mul3A_693 = arith.constant 80 : i32
        %mul3A_694 = arith.muli %add3A_692, %mul3A_693 : i32
        %dma_start3A_695 = arith.constant 2 : i32
        %dma_start3A_696 = arith.constant 2 : i32
        %dma_start3A_697 = arith.constant 0 : i32
        %dma_start3A_698 = arith.constant 0 : i32
        %dma_start3A_699 = tpu.memref_slice %arg10[%dma_start3A_695, %dma_start3A_697, %dma_start3A_698] : memref<5x80x64xi32, #tpu.memory_space<vmem>> -> memref<1x80x64xi32, #tpu.memory_space<vmem>>
        %dma_start3A_700 = tpu.memref_squeeze %dma_start3A_699 : memref<1x80x64xi32, #tpu.memory_space<vmem>> -> memref<80x64xi32, #tpu.memory_space<vmem>>
        %dma_start3A_701 = tpu.memref_slice %arg8[%mul3A_694] : memref<10000xi32, #tpu.memory_space<vmem>> -> memref<80xi32, #tpu.memory_space<vmem>>
        %dma_start3A_702 = arith.constant 0 : i32
        %dma_start3A_703 = arith.constant 0 : i32
        %dma_start3A_704 = tpu.memref_slice %arg2[%dma_start3A_702, %dma_start3A_703] : memref<10000x64xi32, #tpu.memory_space<hbm>> -> memref<10000x64xi32, #tpu.memory_space<hbm>>
        %dma_start3A_705 = tpu.memref_slice %arg12[%dma_start3A_696] : memref<5x!tpu.dma_semaphore, #tpu.memory_space<semaphore_mem>> -> memref<1x!tpu.dma_semaphore, #tpu.memory_space<semaphore_mem>>
        %dma_start3A_706 = tpu.memref_squeeze %dma_start3A_705 : memref<1x!tpu.dma_semaphore, #tpu.memory_space<semaphore_mem>> -> memref<!tpu.dma_semaphore, #tpu.memory_space<semaphore_mem>>
        tpu.enqueue_indirect_dma source(%dma_start3A_704 : memref<10000x64xi32, #tpu.memory_space<hbm>>) target(%dma_start3A_700 : memref<80x64xi32, #tpu.memory_space<vmem>>) offsets(%dma_start3A_701 : memref<80xi32, #tpu.memory_space<vmem>>) semaphore(%dma_start3A_706 : memref<!tpu.dma_semaphore, #tpu.memory_space<semaphore_mem>>)
        %mul3A_707 = arith.constant 80 : i32
        %mul3A_708 = arith.muli %add3A_692, %mul3A_707 : i32
        %dma_start3A_709 = arith.constant 2 : i32
        %dma_start3A_710 = arith.constant 2 : i32
        %dma_start3A_711 = arith.constant 0 : i32
        %dma_start3A_712 = arith.constant 0 : i32
        %dma_start3A_713 = tpu.memref_slice %arg11[%dma_start3A_709, %dma_start3A_711, %dma_start3A_712] : memref<5x80x64xi32, #tpu.memory_space<vmem>> -> memref<1x80x64xi32, #tpu.memory_space<vmem>>
        %dma_start3A_714 = tpu.memref_squeeze %dma_start3A_713 : memref<1x80x64xi32, #tpu.memory_space<vmem>> -> memref<80x64xi32, #tpu.memory_space<vmem>>
        %dma_start3A_715 = tpu.memref_slice %arg9[%mul3A_708] : memref<10000xi32, #tpu.memory_space<vmem>> -> memref<80xi32, #tpu.memory_space<vmem>>
        %dma_start3A_716 = arith.constant 0 : i32
        %dma_start3A_717 = arith.constant 0 : i32
        %dma_start3A_718 = tpu.memref_slice %arg3[%dma_start3A_716, %dma_start3A_717] : memref<10000x64xi32, #tpu.memory_space<hbm>> -> memref<10000x64xi32, #tpu.memory_space<hbm>>
        %dma_start3A_719 = tpu.memref_slice %arg12[%dma_start3A_710] : memref<5x!tpu.dma_semaphore, #tpu.memory_space<semaphore_mem>> -> memref<1x!tpu.dma_semaphore, #tpu.memory_space<semaphore_mem>>
        %dma_start3A_720 = tpu.memref_squeeze %dma_start3A_719 : memref<1x!tpu.dma_semaphore, #tpu.memory_space<semaphore_mem>> -> memref<!tpu.dma_semaphore, #tpu.memory_space<semaphore_mem>>
        tpu.enqueue_indirect_dma source(%dma_start3A_718 : memref<10000x64xi32, #tpu.memory_space<hbm>>) target(%dma_start3A_714 : memref<80x64xi32, #tpu.memory_space<vmem>>) offsets(%dma_start3A_715 : memref<80xi32, #tpu.memory_space<vmem>>) semaphore(%dma_start3A_720 : memref<!tpu.dma_semaphore, #tpu.memory_space<semaphore_mem>>)
      } else {
      }
    }
    %scan3A_84 = arith.constant 25 : i32
    %dma_wait3A = arith.constant 0 : i32
    %dma_wait3A_85 = arith.constant 0 : i32
    %dma_wait3A_86 = arith.constant 0 : i32
    %dma_wait3A_87 = arith.constant 0 : i32
    %dma_wait3A_88 = tpu.memref_slice %arg10[%dma_wait3A, %dma_wait3A_86, %dma_wait3A_87] : memref<5x80x64xi32, #tpu.memory_space<vmem>> -> memref<1x80x64xi32, #tpu.memory_space<vmem>>
    %dma_wait3A_89 = tpu.memref_squeeze %dma_wait3A_88 : memref<1x80x64xi32, #tpu.memory_space<vmem>> -> memref<80x64xi32, #tpu.memory_space<vmem>>
    %dma_wait3A_90 = arith.constant 0 : i32
    %dma_wait3A_91 = arith.constant 0 : i32
    %dma_wait3A_92 = tpu.memref_slice %arg2[%dma_wait3A_90, %dma_wait3A_91] : memref<10000x64xi32, #tpu.memory_space<hbm>> -> memref<80x64xi32, #tpu.memory_space<hbm>>
    %dma_wait3A_93 = tpu.memref_slice %arg13[%dma_wait3A_85] : memref<5x!tpu.dma_semaphore, #tpu.memory_space<semaphore_mem>> -> memref<1x!tpu.dma_semaphore, #tpu.memory_space<semaphore_mem>>
    %dma_wait3A_94 = tpu.memref_squeeze %dma_wait3A_93 : memref<1x!tpu.dma_semaphore, #tpu.memory_space<semaphore_mem>> -> memref<!tpu.dma_semaphore, #tpu.memory_space<semaphore_mem>>
    %dma_wait3A_95 = arith.constant 0 : i32
    %dma_wait3A_96 = arith.constant 0 : i32
    %dma_wait3A_97 = tpu.memref_slice %arg10[%dma_wait3A, %dma_wait3A_95, %dma_wait3A_96] : memref<5x80x64xi32, #tpu.memory_space<vmem>> -> memref<1x80x64xi32, #tpu.memory_space<vmem>>
    %dma_wait3A_98 = tpu.memref_squeeze %dma_wait3A_97 : memref<1x80x64xi32, #tpu.memory_space<vmem>> -> memref<80x64xi32, #tpu.memory_space<vmem>>
    %dma_wait3A_99 = arith.constant 0 : i32
    %dma_wait3A_100 = arith.constant 0 : i32
    %dma_wait3A_101 = tpu.memref_slice %arg2[%dma_wait3A_99, %dma_wait3A_100] : memref<10000x64xi32, #tpu.memory_space<hbm>> -> memref<80x64xi32, #tpu.memory_space<hbm>>
    tpu.wait_dma2 semaphore(%dma_wait3A_94 : memref<!tpu.dma_semaphore, #tpu.memory_space<semaphore_mem>>) src(%dma_wait3A_101 : memref<80x64xi32, #tpu.memory_space<hbm>>) dst(%dma_wait3A_98 : memref<80x64xi32, #tpu.memory_space<vmem>>)
    %dma_wait3A_102 = arith.constant 0 : i32
    %dma_wait3A_103 = arith.constant 0 : i32
    %dma_wait3A_104 = arith.constant 0 : i32
    %dma_wait3A_105 = arith.constant 0 : i32
    %dma_wait3A_106 = tpu.memref_slice %arg11[%dma_wait3A_102, %dma_wait3A_104, %dma_wait3A_105] : memref<5x80x64xi32, #tpu.memory_space<vmem>> -> memref<1x80x64xi32, #tpu.memory_space<vmem>>
    %dma_wait3A_107 = tpu.memref_squeeze %dma_wait3A_106 : memref<1x80x64xi32, #tpu.memory_space<vmem>> -> memref<80x64xi32, #tpu.memory_space<vmem>>
    %dma_wait3A_108 = arith.constant 0 : i32
    %dma_wait3A_109 = arith.constant 0 : i32
    %dma_wait3A_110 = tpu.memref_slice %arg2[%dma_wait3A_108, %dma_wait3A_109] : memref<10000x64xi32, #tpu.memory_space<hbm>> -> memref<80x64xi32, #tpu.memory_space<hbm>>
    %dma_wait3A_111 = tpu.memref_slice %arg13[%dma_wait3A_103] : memref<5x!tpu.dma_semaphore, #tpu.memory_space<semaphore_mem>> -> memref<1x!tpu.dma_semaphore, #tpu.memory_space<semaphore_mem>>
    %dma_wait3A_112 = tpu.memref_squeeze %dma_wait3A_111 : memref<1x!tpu.dma_semaphore, #tpu.memory_space<semaphore_mem>> -> memref<!tpu.dma_semaphore, #tpu.memory_space<semaphore_mem>>
    %dma_wait3A_113 = arith.constant 0 : i32
    %dma_wait3A_114 = arith.constant 0 : i32
    %dma_wait3A_115 = tpu.memref_slice %arg11[%dma_wait3A_102, %dma_wait3A_113, %dma_wait3A_114] : memref<5x80x64xi32, #tpu.memory_space<vmem>> -> memref<1x80x64xi32, #tpu.memory_space<vmem>>
    %dma_wait3A_116 = tpu.memref_squeeze %dma_wait3A_115 : memref<1x80x64xi32, #tpu.memory_space<vmem>> -> memref<80x64xi32, #tpu.memory_space<vmem>>
    %dma_wait3A_117 = arith.constant 0 : i32
    %dma_wait3A_118 = arith.constant 0 : i32
    %dma_wait3A_119 = tpu.memref_slice %arg2[%dma_wait3A_117, %dma_wait3A_118] : memref<10000x64xi32, #tpu.memory_space<hbm>> -> memref<80x64xi32, #tpu.memory_space<hbm>>
    tpu.wait_dma2 semaphore(%dma_wait3A_112 : memref<!tpu.dma_semaphore, #tpu.memory_space<semaphore_mem>>) src(%dma_wait3A_119 : memref<80x64xi32, #tpu.memory_space<hbm>>) dst(%dma_wait3A_116 : memref<80x64xi32, #tpu.memory_space<vmem>>)
    %dma_wait3A_120 = arith.constant 1 : i32
    %dma_wait3A_121 = arith.constant 1 : i32
    %dma_wait3A_122 = arith.constant 0 : i32
    %dma_wait3A_123 = arith.constant 0 : i32
    %dma_wait3A_124 = tpu.memref_slice %arg10[%dma_wait3A_120, %dma_wait3A_122, %dma_wait3A_123] : memref<5x80x64xi32, #tpu.memory_space<vmem>> -> memref<1x80x64xi32, #tpu.memory_space<vmem>>
    %dma_wait3A_125 = tpu.memref_squeeze %dma_wait3A_124 : memref<1x80x64xi32, #tpu.memory_space<vmem>> -> memref<80x64xi32, #tpu.memory_space<vmem>>
    %dma_wait3A_126 = arith.constant 0 : i32
    %dma_wait3A_127 = arith.constant 0 : i32
    %dma_wait3A_128 = tpu.memref_slice %arg2[%dma_wait3A_126, %dma_wait3A_127] : memref<10000x64xi32, #tpu.memory_space<hbm>> -> memref<80x64xi32, #tpu.memory_space<hbm>>
    %dma_wait3A_129 = tpu.memref_slice %arg13[%dma_wait3A_121] : memref<5x!tpu.dma_semaphore, #tpu.memory_space<semaphore_mem>> -> memref<1x!tpu.dma_semaphore, #tpu.memory_space<semaphore_mem>>
    %dma_wait3A_130 = tpu.memref_squeeze %dma_wait3A_129 : memref<1x!tpu.dma_semaphore, #tpu.memory_space<semaphore_mem>> -> memref<!tpu.dma_semaphore, #tpu.memory_space<semaphore_mem>>
    %dma_wait3A_131 = arith.constant 0 : i32
    %dma_wait3A_132 = arith.constant 0 : i32
    %dma_wait3A_133 = tpu.memref_slice %arg10[%dma_wait3A_120, %dma_wait3A_131, %dma_wait3A_132] : memref<5x80x64xi32, #tpu.memory_space<vmem>> -> memref<1x80x64xi32, #tpu.memory_space<vmem>>
    %dma_wait3A_134 = tpu.memref_squeeze %dma_wait3A_133 : memref<1x80x64xi32, #tpu.memory_space<vmem>> -> memref<80x64xi32, #tpu.memory_space<vmem>>
    %dma_wait3A_135 = arith.constant 0 : i32
    %dma_wait3A_136 = arith.constant 0 : i32
    %dma_wait3A_137 = tpu.memref_slice %arg2[%dma_wait3A_135, %dma_wait3A_136] : memref<10000x64xi32, #tpu.memory_space<hbm>> -> memref<80x64xi32, #tpu.memory_space<hbm>>
    tpu.wait_dma2 semaphore(%dma_wait3A_130 : memref<!tpu.dma_semaphore, #tpu.memory_space<semaphore_mem>>) src(%dma_wait3A_137 : memref<80x64xi32, #tpu.memory_space<hbm>>) dst(%dma_wait3A_134 : memref<80x64xi32, #tpu.memory_space<vmem>>)
    %dma_wait3A_138 = arith.constant 1 : i32
    %dma_wait3A_139 = arith.constant 1 : i32
    %dma_wait3A_140 = arith.constant 0 : i32
    %dma_wait3A_141 = arith.constant 0 : i32
    %dma_wait3A_142 = tpu.memref_slice %arg11[%dma_wait3A_138, %dma_wait3A_140, %dma_wait3A_141] : memref<5x80x64xi32, #tpu.memory_space<vmem>> -> memref<1x80x64xi32, #tpu.memory_space<vmem>>
    %dma_wait3A_143 = tpu.memref_squeeze %dma_wait3A_142 : memref<1x80x64xi32, #tpu.memory_space<vmem>> -> memref<80x64xi32, #tpu.memory_space<vmem>>
    %dma_wait3A_144 = arith.constant 0 : i32
    %dma_wait3A_145 = arith.constant 0 : i32
    %dma_wait3A_146 = tpu.memref_slice %arg2[%dma_wait3A_144, %dma_wait3A_145] : memref<10000x64xi32, #tpu.memory_space<hbm>> -> memref<80x64xi32, #tpu.memory_space<hbm>>
    %dma_wait3A_147 = tpu.memref_slice %arg13[%dma_wait3A_139] : memref<5x!tpu.dma_semaphore, #tpu.memory_space<semaphore_mem>> -> memref<1x!tpu.dma_semaphore, #tpu.memory_space<semaphore_mem>>
    %dma_wait3A_148 = tpu.memref_squeeze %dma_wait3A_147 : memref<1x!tpu.dma_semaphore, #tpu.memory_space<semaphore_mem>> -> memref<!tpu.dma_semaphore, #tpu.memory_space<semaphore_mem>>
    %dma_wait3A_149 = arith.constant 0 : i32
    %dma_wait3A_150 = arith.constant 0 : i32
    %dma_wait3A_151 = tpu.memref_slice %arg11[%dma_wait3A_138, %dma_wait3A_149, %dma_wait3A_150] : memref<5x80x64xi32, #tpu.memory_space<vmem>> -> memref<1x80x64xi32, #tpu.memory_space<vmem>>
    %dma_wait3A_152 = tpu.memref_squeeze %dma_wait3A_151 : memref<1x80x64xi32, #tpu.memory_space<vmem>> -> memref<80x64xi32, #tpu.memory_space<vmem>>
    %dma_wait3A_153 = arith.constant 0 : i32
    %dma_wait3A_154 = arith.constant 0 : i32
    %dma_wait3A_155 = tpu.memref_slice %arg2[%dma_wait3A_153, %dma_wait3A_154] : memref<10000x64xi32, #tpu.memory_space<hbm>> -> memref<80x64xi32, #tpu.memory_space<hbm>>
    tpu.wait_dma2 semaphore(%dma_wait3A_148 : memref<!tpu.dma_semaphore, #tpu.memory_space<semaphore_mem>>) src(%dma_wait3A_155 : memref<80x64xi32, #tpu.memory_space<hbm>>) dst(%dma_wait3A_152 : memref<80x64xi32, #tpu.memory_space<vmem>>)
    %dma_wait3A_156 = arith.constant 2 : i32
    %dma_wait3A_157 = arith.constant 2 : i32
    %dma_wait3A_158 = arith.constant 0 : i32
    %dma_wait3A_159 = arith.constant 0 : i32
    %dma_wait3A_160 = tpu.memref_slice %arg10[%dma_wait3A_156, %dma_wait3A_158, %dma_wait3A_159] : memref<5x80x64xi32, #tpu.memory_space<vmem>> -> memref<1x80x64xi32, #tpu.memory_space<vmem>>
    %dma_wait3A_161 = tpu.memref_squeeze %dma_wait3A_160 : memref<1x80x64xi32, #tpu.memory_space<vmem>> -> memref<80x64xi32, #tpu.memory_space<vmem>>
    %dma_wait3A_162 = arith.constant 0 : i32
    %dma_wait3A_163 = arith.constant 0 : i32
    %dma_wait3A_164 = tpu.memref_slice %arg2[%dma_wait3A_162, %dma_wait3A_163] : memref<10000x64xi32, #tpu.memory_space<hbm>> -> memref<80x64xi32, #tpu.memory_space<hbm>>
    %dma_wait3A_165 = tpu.memref_slice %arg13[%dma_wait3A_157] : memref<5x!tpu.dma_semaphore, #tpu.memory_space<semaphore_mem>> -> memref<1x!tpu.dma_semaphore, #tpu.memory_space<semaphore_mem>>
    %dma_wait3A_166 = tpu.memref_squeeze %dma_wait3A_165 : memref<1x!tpu.dma_semaphore, #tpu.memory_space<semaphore_mem>> -> memref<!tpu.dma_semaphore, #tpu.memory_space<semaphore_mem>>
    %dma_wait3A_167 = arith.constant 0 : i32
    %dma_wait3A_168 = arith.constant 0 : i32
    %dma_wait3A_169 = tpu.memref_slice %arg10[%dma_wait3A_156, %dma_wait3A_167, %dma_wait3A_168] : memref<5x80x64xi32, #tpu.memory_space<vmem>> -> memref<1x80x64xi32, #tpu.memory_space<vmem>>
    %dma_wait3A_170 = tpu.memref_squeeze %dma_wait3A_169 : memref<1x80x64xi32, #tpu.memory_space<vmem>> -> memref<80x64xi32, #tpu.memory_space<vmem>>
    %dma_wait3A_171 = arith.constant 0 : i32
    %dma_wait3A_172 = arith.constant 0 : i32
    %dma_wait3A_173 = tpu.memref_slice %arg2[%dma_wait3A_171, %dma_wait3A_172] : memref<10000x64xi32, #tpu.memory_space<hbm>> -> memref<80x64xi32, #tpu.memory_space<hbm>>
    tpu.wait_dma2 semaphore(%dma_wait3A_166 : memref<!tpu.dma_semaphore, #tpu.memory_space<semaphore_mem>>) src(%dma_wait3A_173 : memref<80x64xi32, #tpu.memory_space<hbm>>) dst(%dma_wait3A_170 : memref<80x64xi32, #tpu.memory_space<vmem>>)
    %dma_wait3A_174 = arith.constant 2 : i32
    %dma_wait3A_175 = arith.constant 2 : i32
    %dma_wait3A_176 = arith.constant 0 : i32
    %dma_wait3A_177 = arith.constant 0 : i32
    %dma_wait3A_178 = tpu.memref_slice %arg11[%dma_wait3A_174, %dma_wait3A_176, %dma_wait3A_177] : memref<5x80x64xi32, #tpu.memory_space<vmem>> -> memref<1x80x64xi32, #tpu.memory_space<vmem>>
    %dma_wait3A_179 = tpu.memref_squeeze %dma_wait3A_178 : memref<1x80x64xi32, #tpu.memory_space<vmem>> -> memref<80x64xi32, #tpu.memory_space<vmem>>
    %dma_wait3A_180 = arith.constant 0 : i32
    %dma_wait3A_181 = arith.constant 0 : i32
    %dma_wait3A_182 = tpu.memref_slice %arg2[%dma_wait3A_180, %dma_wait3A_181] : memref<10000x64xi32, #tpu.memory_space<hbm>> -> memref<80x64xi32, #tpu.memory_space<hbm>>
    %dma_wait3A_183 = tpu.memref_slice %arg13[%dma_wait3A_175] : memref<5x!tpu.dma_semaphore, #tpu.memory_space<semaphore_mem>> -> memref<1x!tpu.dma_semaphore, #tpu.memory_space<semaphore_mem>>
    %dma_wait3A_184 = tpu.memref_squeeze %dma_wait3A_183 : memref<1x!tpu.dma_semaphore, #tpu.memory_space<semaphore_mem>> -> memref<!tpu.dma_semaphore, #tpu.memory_space<semaphore_mem>>
    %dma_wait3A_185 = arith.constant 0 : i32
    %dma_wait3A_186 = arith.constant 0 : i32
    %dma_wait3A_187 = tpu.memref_slice %arg11[%dma_wait3A_174, %dma_wait3A_185, %dma_wait3A_186] : memref<5x80x64xi32, #tpu.memory_space<vmem>> -> memref<1x80x64xi32, #tpu.memory_space<vmem>>
    %dma_wait3A_188 = tpu.memref_squeeze %dma_wait3A_187 : memref<1x80x64xi32, #tpu.memory_space<vmem>> -> memref<80x64xi32, #tpu.memory_space<vmem>>
    %dma_wait3A_189 = arith.constant 0 : i32
    %dma_wait3A_190 = arith.constant 0 : i32
    %dma_wait3A_191 = tpu.memref_slice %arg2[%dma_wait3A_189, %dma_wait3A_190] : memref<10000x64xi32, #tpu.memory_space<hbm>> -> memref<80x64xi32, #tpu.memory_space<hbm>>
    tpu.wait_dma2 semaphore(%dma_wait3A_184 : memref<!tpu.dma_semaphore, #tpu.memory_space<semaphore_mem>>) src(%dma_wait3A_191 : memref<80x64xi32, #tpu.memory_space<hbm>>) dst(%dma_wait3A_188 : memref<80x64xi32, #tpu.memory_space<vmem>>)
    %dma_wait3A_192 = arith.constant 3 : i32
    %dma_wait3A_193 = arith.constant 3 : i32
    %dma_wait3A_194 = arith.constant 0 : i32
    %dma_wait3A_195 = arith.constant 0 : i32
    %dma_wait3A_196 = tpu.memref_slice %arg10[%dma_wait3A_192, %dma_wait3A_194, %dma_wait3A_195] : memref<5x80x64xi32, #tpu.memory_space<vmem>> -> memref<1x80x64xi32, #tpu.memory_space<vmem>>
    %dma_wait3A_197 = tpu.memref_squeeze %dma_wait3A_196 : memref<1x80x64xi32, #tpu.memory_space<vmem>> -> memref<80x64xi32, #tpu.memory_space<vmem>>
    %dma_wait3A_198 = arith.constant 0 : i32
    %dma_wait3A_199 = arith.constant 0 : i32
    %dma_wait3A_200 = tpu.memref_slice %arg2[%dma_wait3A_198, %dma_wait3A_199] : memref<10000x64xi32, #tpu.memory_space<hbm>> -> memref<80x64xi32, #tpu.memory_space<hbm>>
    %dma_wait3A_201 = tpu.memref_slice %arg13[%dma_wait3A_193] : memref<5x!tpu.dma_semaphore, #tpu.memory_space<semaphore_mem>> -> memref<1x!tpu.dma_semaphore, #tpu.memory_space<semaphore_mem>>
    %dma_wait3A_202 = tpu.memref_squeeze %dma_wait3A_201 : memref<1x!tpu.dma_semaphore, #tpu.memory_space<semaphore_mem>> -> memref<!tpu.dma_semaphore, #tpu.memory_space<semaphore_mem>>
    %dma_wait3A_203 = arith.constant 0 : i32
    %dma_wait3A_204 = arith.constant 0 : i32
    %dma_wait3A_205 = tpu.memref_slice %arg10[%dma_wait3A_192, %dma_wait3A_203, %dma_wait3A_204] : memref<5x80x64xi32, #tpu.memory_space<vmem>> -> memref<1x80x64xi32, #tpu.memory_space<vmem>>
    %dma_wait3A_206 = tpu.memref_squeeze %dma_wait3A_205 : memref<1x80x64xi32, #tpu.memory_space<vmem>> -> memref<80x64xi32, #tpu.memory_space<vmem>>
    %dma_wait3A_207 = arith.constant 0 : i32
    %dma_wait3A_208 = arith.constant 0 : i32
    %dma_wait3A_209 = tpu.memref_slice %arg2[%dma_wait3A_207, %dma_wait3A_208] : memref<10000x64xi32, #tpu.memory_space<hbm>> -> memref<80x64xi32, #tpu.memory_space<hbm>>
    tpu.wait_dma2 semaphore(%dma_wait3A_202 : memref<!tpu.dma_semaphore, #tpu.memory_space<semaphore_mem>>) src(%dma_wait3A_209 : memref<80x64xi32, #tpu.memory_space<hbm>>) dst(%dma_wait3A_206 : memref<80x64xi32, #tpu.memory_space<vmem>>)
    %dma_wait3A_210 = arith.constant 3 : i32
    %dma_wait3A_211 = arith.constant 3 : i32
    %dma_wait3A_212 = arith.constant 0 : i32
    %dma_wait3A_213 = arith.constant 0 : i32
    %dma_wait3A_214 = tpu.memref_slice %arg11[%dma_wait3A_210, %dma_wait3A_212, %dma_wait3A_213] : memref<5x80x64xi32, #tpu.memory_space<vmem>> -> memref<1x80x64xi32, #tpu.memory_space<vmem>>
    %dma_wait3A_215 = tpu.memref_squeeze %dma_wait3A_214 : memref<1x80x64xi32, #tpu.memory_space<vmem>> -> memref<80x64xi32, #tpu.memory_space<vmem>>
    %dma_wait3A_216 = arith.constant 0 : i32
    %dma_wait3A_217 = arith.constant 0 : i32
    %dma_wait3A_218 = tpu.memref_slice %arg2[%dma_wait3A_216, %dma_wait3A_217] : memref<10000x64xi32, #tpu.memory_space<hbm>> -> memref<80x64xi32, #tpu.memory_space<hbm>>
    %dma_wait3A_219 = tpu.memref_slice %arg13[%dma_wait3A_211] : memref<5x!tpu.dma_semaphore, #tpu.memory_space<semaphore_mem>> -> memref<1x!tpu.dma_semaphore, #tpu.memory_space<semaphore_mem>>
    %dma_wait3A_220 = tpu.memref_squeeze %dma_wait3A_219 : memref<1x!tpu.dma_semaphore, #tpu.memory_space<semaphore_mem>> -> memref<!tpu.dma_semaphore, #tpu.memory_space<semaphore_mem>>
    %dma_wait3A_221 = arith.constant 0 : i32
    %dma_wait3A_222 = arith.constant 0 : i32
    %dma_wait3A_223 = tpu.memref_slice %arg11[%dma_wait3A_210, %dma_wait3A_221, %dma_wait3A_222] : memref<5x80x64xi32, #tpu.memory_space<vmem>> -> memref<1x80x64xi32, #tpu.memory_space<vmem>>
    %dma_wait3A_224 = tpu.memref_squeeze %dma_wait3A_223 : memref<1x80x64xi32, #tpu.memory_space<vmem>> -> memref<80x64xi32, #tpu.memory_space<vmem>>
    %dma_wait3A_225 = arith.constant 0 : i32
    %dma_wait3A_226 = arith.constant 0 : i32
    %dma_wait3A_227 = tpu.memref_slice %arg2[%dma_wait3A_225, %dma_wait3A_226] : memref<10000x64xi32, #tpu.memory_space<hbm>> -> memref<80x64xi32, #tpu.memory_space<hbm>>
    tpu.wait_dma2 semaphore(%dma_wait3A_220 : memref<!tpu.dma_semaphore, #tpu.memory_space<semaphore_mem>>) src(%dma_wait3A_227 : memref<80x64xi32, #tpu.memory_space<hbm>>) dst(%dma_wait3A_224 : memref<80x64xi32, #tpu.memory_space<vmem>>)
    %dma_wait3A_228 = arith.constant 4 : i32
    %dma_wait3A_229 = arith.constant 4 : i32
    %dma_wait3A_230 = arith.constant 0 : i32
    %dma_wait3A_231 = arith.constant 0 : i32
    %dma_wait3A_232 = tpu.memref_slice %arg10[%dma_wait3A_228, %dma_wait3A_230, %dma_wait3A_231] : memref<5x80x64xi32, #tpu.memory_space<vmem>> -> memref<1x80x64xi32, #tpu.memory_space<vmem>>
    %dma_wait3A_233 = tpu.memref_squeeze %dma_wait3A_232 : memref<1x80x64xi32, #tpu.memory_space<vmem>> -> memref<80x64xi32, #tpu.memory_space<vmem>>
    %dma_wait3A_234 = arith.constant 0 : i32
    %dma_wait3A_235 = arith.constant 0 : i32
    %dma_wait3A_236 = tpu.memref_slice %arg2[%dma_wait3A_234, %dma_wait3A_235] : memref<10000x64xi32, #tpu.memory_space<hbm>> -> memref<80x64xi32, #tpu.memory_space<hbm>>
    %dma_wait3A_237 = tpu.memref_slice %arg13[%dma_wait3A_229] : memref<5x!tpu.dma_semaphore, #tpu.memory_space<semaphore_mem>> -> memref<1x!tpu.dma_semaphore, #tpu.memory_space<semaphore_mem>>
    %dma_wait3A_238 = tpu.memref_squeeze %dma_wait3A_237 : memref<1x!tpu.dma_semaphore, #tpu.memory_space<semaphore_mem>> -> memref<!tpu.dma_semaphore, #tpu.memory_space<semaphore_mem>>
    %dma_wait3A_239 = arith.constant 0 : i32
    %dma_wait3A_240 = arith.constant 0 : i32
    %dma_wait3A_241 = tpu.memref_slice %arg10[%dma_wait3A_228, %dma_wait3A_239, %dma_wait3A_240] : memref<5x80x64xi32, #tpu.memory_space<vmem>> -> memref<1x80x64xi32, #tpu.memory_space<vmem>>
    %dma_wait3A_242 = tpu.memref_squeeze %dma_wait3A_241 : memref<1x80x64xi32, #tpu.memory_space<vmem>> -> memref<80x64xi32, #tpu.memory_space<vmem>>
    %dma_wait3A_243 = arith.constant 0 : i32
    %dma_wait3A_244 = arith.constant 0 : i32
    %dma_wait3A_245 = tpu.memref_slice %arg2[%dma_wait3A_243, %dma_wait3A_244] : memref<10000x64xi32, #tpu.memory_space<hbm>> -> memref<80x64xi32, #tpu.memory_space<hbm>>
    tpu.wait_dma2 semaphore(%dma_wait3A_238 : memref<!tpu.dma_semaphore, #tpu.memory_space<semaphore_mem>>) src(%dma_wait3A_245 : memref<80x64xi32, #tpu.memory_space<hbm>>) dst(%dma_wait3A_242 : memref<80x64xi32, #tpu.memory_space<vmem>>)
    %dma_wait3A_246 = arith.constant 4 : i32
    %dma_wait3A_247 = arith.constant 4 : i32
    %dma_wait3A_248 = arith.constant 0 : i32
    %dma_wait3A_249 = arith.constant 0 : i32
    %dma_wait3A_250 = tpu.memref_slice %arg11[%dma_wait3A_246, %dma_wait3A_248, %dma_wait3A_249] : memref<5x80x64xi32, #tpu.memory_space<vmem>> -> memref<1x80x64xi32, #tpu.memory_space<vmem>>
    %dma_wait3A_251 = tpu.memref_squeeze %dma_wait3A_250 : memref<1x80x64xi32, #tpu.memory_space<vmem>> -> memref<80x64xi32, #tpu.memory_space<vmem>>
    %dma_wait3A_252 = arith.constant 0 : i32
    %dma_wait3A_253 = arith.constant 0 : i32
    %dma_wait3A_254 = tpu.memref_slice %arg2[%dma_wait3A_252, %dma_wait3A_253] : memref<10000x64xi32, #tpu.memory_space<hbm>> -> memref<80x64xi32, #tpu.memory_space<hbm>>
    %dma_wait3A_255 = tpu.memref_slice %arg13[%dma_wait3A_247] : memref<5x!tpu.dma_semaphore, #tpu.memory_space<semaphore_mem>> -> memref<1x!tpu.dma_semaphore, #tpu.memory_space<semaphore_mem>>
    %dma_wait3A_256 = tpu.memref_squeeze %dma_wait3A_255 : memref<1x!tpu.dma_semaphore, #tpu.memory_space<semaphore_mem>> -> memref<!tpu.dma_semaphore, #tpu.memory_space<semaphore_mem>>
    %dma_wait3A_257 = arith.constant 0 : i32
    %dma_wait3A_258 = arith.constant 0 : i32
    %dma_wait3A_259 = tpu.memref_slice %arg11[%dma_wait3A_246, %dma_wait3A_257, %dma_wait3A_258] : memref<5x80x64xi32, #tpu.memory_space<vmem>> -> memref<1x80x64xi32, #tpu.memory_space<vmem>>
    %dma_wait3A_260 = tpu.memref_squeeze %dma_wait3A_259 : memref<1x80x64xi32, #tpu.memory_space<vmem>> -> memref<80x64xi32, #tpu.memory_space<vmem>>
    %dma_wait3A_261 = arith.constant 0 : i32
    %dma_wait3A_262 = arith.constant 0 : i32
    %dma_wait3A_263 = tpu.memref_slice %arg2[%dma_wait3A_261, %dma_wait3A_262] : memref<10000x64xi32, #tpu.memory_space<hbm>> -> memref<80x64xi32, #tpu.memory_space<hbm>>
    tpu.wait_dma2 semaphore(%dma_wait3A_256 : memref<!tpu.dma_semaphore, #tpu.memory_space<semaphore_mem>>) src(%dma_wait3A_263 : memref<80x64xi32, #tpu.memory_space<hbm>>) dst(%dma_wait3A_260 : memref<80x64xi32, #tpu.memory_space<vmem>>)
    return
  }
}

module attributes {stable_mosaic.version = 14 : i64} {
  func.func @_prep_body(%arg0: i32, %arg1: memref<2000x128xf32, #tpu.memory_space<vmem>>, %arg2: memref<128x128xf32, #tpu.memory_space<vmem>>, %arg3: memref<128x128xf32, #tpu.memory_space<vmem>>, %arg4: memref<128x128xf32, #tpu.memory_space<vmem>>, %arg5: memref<128x128xf32, #tpu.memory_space<vmem>>, %arg6: memref<2000x128xbf16, #tpu.memory_space<vmem>>, %arg7: memref<2000x128xbf16, #tpu.memory_space<vmem>>, %arg8: memref<128x128xf32, #tpu.memory_space<vmem>>) attributes {dimension_semantics = [#tpu.dimension_semantics<arbitrary>], iteration_bounds = array<i64: 5>, scalar_prefetch = 0 : i64, scratch_operands = 0 : i64, tpu.core_type = #tpu.core_type<tc>, window_params = [{transform_indices = @transform_0, window_bounds = array<i64: 2000, 128>}, {pipeline_mode = #tpu.pipeline_mode<synchronous>, transform_indices = @transform_1, window_bounds = array<i64: 128, 128>}, {pipeline_mode = #tpu.pipeline_mode<synchronous>, transform_indices = @transform_2, window_bounds = array<i64: 128, 128>}, {pipeline_mode = #tpu.pipeline_mode<synchronous>, transform_indices = @transform_3, window_bounds = array<i64: 128, 128>}, {pipeline_mode = #tpu.pipeline_mode<synchronous>, transform_indices = @transform_4, window_bounds = array<i64: 128, 128>}, {transform_indices = @transform_5, window_bounds = array<i64: 2000, 128>}, {transform_indices = @transform_6, window_bounds = array<i64: 2000, 128>}, {pipeline_mode = #tpu.pipeline_mode<synchronous>, transform_indices = @transform_7, window_bounds = array<i64: 128, 128>}]} {
    %get3A = arith.constant 0 : index
    %get3A_0 = arith.constant 0 : index
    %get3A_1 = vector.load %arg4[%get3A, %get3A_0] : memref<128x128xf32, #tpu.memory_space<vmem>>, vector<128x128xf32>
    %get3A_2 = arith.constant 0 : index
    %get3A_3 = arith.constant 0 : index
    %get3A_4 = vector.load %arg1[%get3A_2, %get3A_3] : memref<2000x128xf32, #tpu.memory_space<vmem>>, vector<2000x128xf32>
    %get3A_5 = arith.constant 0 : index
    %get3A_6 = arith.constant 0 : index
    %get3A_7 = vector.load %arg2[%get3A_5, %get3A_6] : memref<128x128xf32, #tpu.memory_space<vmem>>, vector<128x128xf32>
    %dot_general3A = arith.constant dense<0.000000e+00> : vector<2000x128xf32>
    %dot_general3A_8 = tpu.matmul %get3A_4, %get3A_7, %dot_general3A {dimension_numbers = #tpu.dot_dimension_numbers<[1], [0], [0], [1], [0, 0, 1, 1], [], []>, transpose_lhs_hint = false} : vector<2000x128xf32>, vector<128x128xf32>, vector<2000x128xf32> -> vector<2000x128xf32>
    %dot_general3A_9 = arith.constant dense<0.000000e+00> : vector<2000x128xf32>
    %dot_general3A_10 = tpu.matmul %dot_general3A_8, %get3A_1, %dot_general3A_9 {dimension_numbers = #tpu.dot_dimension_numbers<[1], [0], [0], [1], [0, 0, 1, 1], [], []>, transpose_lhs_hint = false} : vector<2000x128xf32>, vector<128x128xf32>, vector<2000x128xf32> -> vector<2000x128xf32>
    %convert_element_type3A = arith.truncf %dot_general3A_10 : vector<2000x128xf32> to vector<2000x128xbf16>
    %swap3A = arith.constant 0 : index
    %swap3A_11 = arith.constant 0 : index
    %swap3A_12 = vector.load %arg6[%swap3A, %swap3A_11] : memref<2000x128xbf16, #tpu.memory_space<vmem>>, vector<2000x128xbf16>
    tpu.vector_store %arg6[%swap3A, %swap3A_11], %convert_element_type3A {strides = array<i32>} : memref<2000x128xbf16, #tpu.memory_space<vmem>>, vector<2000x128xbf16>,
    %get3A_13 = arith.constant 0 : index
    %get3A_14 = arith.constant 0 : index
    %get3A_15 = vector.load %arg1[%get3A_13, %get3A_14] : memref<2000x128xf32, #tpu.memory_space<vmem>>, vector<2000x128xf32>
    %get3A_16 = arith.constant 0 : index
    %get3A_17 = arith.constant 0 : index
    %get3A_18 = vector.load %arg3[%get3A_16, %get3A_17] : memref<128x128xf32, #tpu.memory_space<vmem>>, vector<128x128xf32>
    %dot_general3A_19 = arith.constant dense<0.000000e+00> : vector<2000x128xf32>
    %dot_general3A_20 = tpu.matmul %get3A_15, %get3A_18, %dot_general3A_19 {dimension_numbers = #tpu.dot_dimension_numbers<[1], [0], [0], [1], [0, 0, 1, 1], [], []>, transpose_lhs_hint = false} : vector<2000x128xf32>, vector<128x128xf32>, vector<2000x128xf32> -> vector<2000x128xf32>
    %dot_general3A_21 = arith.constant dense<0.000000e+00> : vector<2000x128xf32>
    %dot_general3A_22 = tpu.matmul %dot_general3A_20, %get3A_1, %dot_general3A_21 {dimension_numbers = #tpu.dot_dimension_numbers<[1], [0], [0], [1], [0, 0, 1, 1], [], []>, transpose_lhs_hint = false} : vector<2000x128xf32>, vector<128x128xf32>, vector<2000x128xf32> -> vector<2000x128xf32>
    %convert_element_type3A_23 = arith.truncf %dot_general3A_22 : vector<2000x128xf32> to vector<2000x128xbf16>
    %swap3A_24 = arith.constant 0 : index
    %swap3A_25 = arith.constant 0 : index
    %swap3A_26 = vector.load %arg7[%swap3A_24, %swap3A_25] : memref<2000x128xbf16, #tpu.memory_space<vmem>>, vector<2000x128xbf16>
    tpu.vector_store %arg7[%swap3A_24, %swap3A_25], %convert_element_type3A_23 {strides = array<i32>} : memref<2000x128xbf16, #tpu.memory_space<vmem>>, vector<2000x128xbf16>,
    %eq3A = arith.constant 0 : i32
    %eq3A_27 = arith.cmpi eq, %arg0, %eq3A : i32
    %convert_element_type3A_28 = arith.extui %eq3A_27 : i1 to i32
    %cond3A = arith.constant 0 : i32
    %cond3A_29 = arith.cmpi ne, %convert_element_type3A_28, %cond3A : i32
    scf.if %cond3A_29 {
      %get3A_30 = arith.constant 0 : index
      %get3A_31 = arith.constant 0 : index
      %get3A_32 = vector.load %arg5[%get3A_30, %get3A_31] : memref<128x128xf32, #tpu.memory_space<vmem>>, vector<128x128xf32>
      %dot_general3A_33 = arith.constant dense<0.000000e+00> : vector<128x128xf32>
      %dot_general3A_34 = tpu.matmul %get3A_32, %get3A_1, %dot_general3A_33 {dimension_numbers = #tpu.dot_dimension_numbers<[1], [0], [0], [1], [0, 0, 1, 1], [], []>, transpose_lhs_hint = false} : vector<128x128xf32>, vector<128x128xf32>, vector<128x128xf32> -> vector<128x128xf32>
      %swap3A_35 = arith.constant 0 : index
      %swap3A_36 = arith.constant 0 : index
      %swap3A_37 = vector.load %arg8[%swap3A_35, %swap3A_36] : memref<128x128xf32, #tpu.memory_space<vmem>>, vector<128x128xf32>
      tpu.vector_store %arg8[%swap3A_35, %swap3A_36], %dot_general3A_34 {strides = array<i32>} : memref<128x128xf32, #tpu.memory_space<vmem>>, vector<128x128xf32>,
    } else {
    }
    return
  }
  func.func @transform_0(%arg0: i32) -> (i32, i32) {
    %c0_i32 = arith.constant 0 : i32
    %c0_i32_0 = arith.constant 0 : i32
    return %arg0, %c0_i32 : i32, i32
  }
  func.func @transform_1(%arg0: i32) -> (i32, i32) {
    %c0_i32 = arith.constant 0 : i32
    %c0_i32_0 = arith.constant 0 : i32
    %c0_i32_1 = arith.constant 0 : i32
    return %c0_i32, %c0_i32_0 : i32, i32
  }
  func.func @transform_2(%arg0: i32) -> (i32, i32) {
    %c0_i32 = arith.constant 0 : i32
    %c0_i32_0 = arith.constant 0 : i32
    %c0_i32_1 = arith.constant 0 : i32
    return %c0_i32, %c0_i32_0 : i32, i32
  }
  func.func @transform_3(%arg0: i32) -> (i32, i32) {
    %c0_i32 = arith.constant 0 : i32
    %c0_i32_0 = arith.constant 0 : i32
    %c0_i32_1 = arith.constant 0 : i32
    return %c0_i32, %c0_i32_0 : i32, i32
  }
  func.func @transform_4(%arg0: i32) -> (i32, i32) {
    %c0_i32 = arith.constant 0 : i32
    %c0_i32_0 = arith.constant 0 : i32
    %c0_i32_1 = arith.constant 0 : i32
    return %c0_i32, %c0_i32_0 : i32, i32
  }
  func.func @transform_5(%arg0: i32) -> (i32, i32) {
    %c0_i32 = arith.constant 0 : i32
    %c0_i32_0 = arith.constant 0 : i32
    return %arg0, %c0_i32 : i32, i32
  }
  func.func @transform_6(%arg0: i32) -> (i32, i32) {
    %c0_i32 = arith.constant 0 : i32
    %c0_i32_0 = arith.constant 0 : i32
    return %arg0, %c0_i32 : i32, i32
  }
  func.func @transform_7(%arg0: i32) -> (i32, i32) {
    %c0_i32 = arith.constant 0 : i32
    %c0_i32_0 = arith.constant 0 : i32
    %c0_i32_1 = arith.constant 0 : i32
    return %c0_i32, %c0_i32_0 : i32, i32
  }
}

module attributes {stable_mosaic.version = 14 : i64} {
  func.func @_main_body(%arg0: i32, %arg1: memref<4000x64xi32, #tpu.memory_space<vmem>>, %arg2: memref<4000x64xi32, #tpu.memory_space<vmem>>, %arg3: memref<4000x128xf32, #tpu.memory_space<vmem>>, %arg4: memref<4000x16xf32, #tpu.memory_space<vmem>>, %arg5: memref<128x128xf32, #tpu.memory_space<vmem>>, %arg6: memref<16x128xf32, #tpu.memory_space<vmem>>, %arg7: memref<128x128xf32, #tpu.memory_space<vmem>>, %arg8: memref<1x128xf32, #tpu.memory_space<vmem>>, %arg9: memref<1x128xf32, #tpu.memory_space<vmem>>, %arg10: memref<4000x128xf32, #tpu.memory_space<vmem>>) attributes {dimension_semantics = [#tpu.dimension_semantics<arbitrary>], iteration_bounds = array<i64: 80>, scalar_prefetch = 0 : i64, scratch_operands = 0 : i64, tpu.core_type = #tpu.core_type<tc>, window_params = [{transform_indices = @transform_0, window_bounds = array<i64: 4000, 64>}, {transform_indices = @transform_1, window_bounds = array<i64: 4000, 64>}, {transform_indices = @transform_2, window_bounds = array<i64: 4000, 128>}, {transform_indices = @transform_3, window_bounds = array<i64: 4000, 16>}, {pipeline_mode = #tpu.pipeline_mode<synchronous>, transform_indices = @transform_4, window_bounds = array<i64: 128, 128>}, {pipeline_mode = #tpu.pipeline_mode<synchronous>, transform_indices = @transform_5, window_bounds = array<i64: 16, 128>}, {pipeline_mode = #tpu.pipeline_mode<synchronous>, transform_indices = @transform_6, window_bounds = array<i64: 128, 128>}, {pipeline_mode = #tpu.pipeline_mode<synchronous>, transform_indices = @transform_7, window_bounds = array<i64: 1, 128>}, {pipeline_mode = #tpu.pipeline_mode<synchronous>, transform_indices = @transform_8, window_bounds = array<i64: 1, 128>}, {transform_indices = @transform_9, window_bounds = array<i64: 4000, 128>}]} {
    %get3A = arith.constant 0 : index
    %get3A_0 = arith.constant 0 : index
    %get3A_1 = vector.load %arg3[%get3A, %get3A_0] : memref<4000x128xf32, #tpu.memory_space<vmem>>, vector<4000x128xf32>
    %get3A_2 = arith.constant 0 : index
    %get3A_3 = arith.constant 0 : index
    %get3A_4 = vector.load %arg5[%get3A_2, %get3A_3] : memref<128x128xf32, #tpu.memory_space<vmem>>, vector<128x128xf32>
    %dot_general3A = arith.constant dense<0.000000e+00> : vector<4000x128xf32>
    %dot_general3A_5 = tpu.matmul %get3A_1, %get3A_4, %dot_general3A {dimension_numbers = #tpu.dot_dimension_numbers<[1], [0], [0], [1], [0, 0, 1, 1], [], []>, transpose_lhs_hint = false} : vector<4000x128xf32>, vector<128x128xf32>, vector<4000x128xf32> -> vector<4000x128xf32>
    %get3A_6 = arith.constant 0 : index
    %get3A_7 = arith.constant 0 : index
    %get3A_8 = vector.load %arg4[%get3A_6, %get3A_7] : memref<4000x16xf32, #tpu.memory_space<vmem>>, vector<4000x16xf32>
    %get3A_9 = arith.constant 0 : index
    %get3A_10 = arith.constant 0 : index
    %get3A_11 = vector.load %arg6[%get3A_9, %get3A_10] : memref<16x128xf32, #tpu.memory_space<vmem>>, vector<16x128xf32>
    %dot_general3A_12 = arith.constant dense<0.000000e+00> : vector<4000x128xf32>
    %dot_general3A_13 = tpu.matmul %get3A_8, %get3A_11, %dot_general3A_12 {dimension_numbers = #tpu.dot_dimension_numbers<[1], [0], [0], [1], [0, 0, 1, 1], [], []>, transpose_lhs_hint = false} : vector<4000x16xf32>, vector<16x128xf32>, vector<4000x128xf32> -> vector<4000x128xf32>
    %add3A = arith.addf %dot_general3A_5, %dot_general3A_13 : vector<4000x128xf32>
    %get3A_14 = arith.constant 0 : index
    %get3A_15 = arith.constant 0 : index
    %get3A_16 = vector.load %arg8[%get3A_14, %get3A_15] : memref<1x128xf32, #tpu.memory_space<vmem>>, vector<1x128xf32>
    %get3A_17 = arith.constant 0 : index
    %get3A_18 = arith.constant 0 : index
    %get3A_19 = vector.load %arg7[%get3A_17, %get3A_18] : memref<128x128xf32, #tpu.memory_space<vmem>>, vector<128x128xf32>
    %dot_general3A_20 = arith.constant dense<0.000000e+00> : vector<1x128xf32>
    %dot_general3A_21 = tpu.matmul %get3A_16, %get3A_19, %dot_general3A_20 {dimension_numbers = #tpu.dot_dimension_numbers<[1], [0], [0], [1], [0, 0, 1, 1], [], []>, transpose_lhs_hint = false} : vector<1x128xf32>, vector<128x128xf32>, vector<1x128xf32> -> vector<1x128xf32>
    %get3A_22 = arith.constant 0 : index
    %get3A_23 = arith.constant 0 : index
    %get3A_24 = vector.load %arg9[%get3A_22, %get3A_23] : memref<1x128xf32, #tpu.memory_space<vmem>>, vector<1x128xf32>
    %add3A_25 = arith.addf %dot_general3A_21, %get3A_24 : vector<1x128xf32>
    %get3A_26 = arith.constant 0 : index
    %get3A_27 = arith.constant 0 : index
    %get3A_28 = vector.load %arg1[%get3A_26, %get3A_27] : memref<4000x64xi32, #tpu.memory_space<vmem>>, vector<4000x64xi32>
    %shift_left3A = arith.constant 16 : i32
    %shift_left3A_29 = vector.broadcast %shift_left3A : i32 to vector<4000x64xi32>
    %shift_left3A_30 = arith.shli %get3A_28, %shift_left3A_29 : vector<4000x64xi32>
    %bitcast_convert_type3A = tpu.bitcast %shift_left3A_30 : vector<4000x64xi32> -> vector<4000x64xf32>
    %and3A = arith.constant -65536 : i32
    %and3A_31 = vector.broadcast %and3A : i32 to vector<4000x64xi32>
    %and3A_32 = arith.andi %get3A_28, %and3A_31 : vector<4000x64xi32>
    %bitcast_convert_type3A_33 = tpu.bitcast %and3A_32 : vector<4000x64xi32> -> vector<4000x64xf32>
    %concatenate3A = tpu.concatenate %bitcast_convert_type3A, %bitcast_convert_type3A_33 in 1 : vector<4000x64xf32>, vector<4000x64xf32> -> vector<4000x128xf32>
    %get3A_34 = arith.constant 0 : index
    %get3A_35 = arith.constant 0 : index
    %get3A_36 = vector.load %arg2[%get3A_34, %get3A_35] : memref<4000x64xi32, #tpu.memory_space<vmem>>, vector<4000x64xi32>
    %shift_left3A_37 = arith.constant 16 : i32
    %shift_left3A_38 = vector.broadcast %shift_left3A_37 : i32 to vector<4000x64xi32>
    %shift_left3A_39 = arith.shli %get3A_36, %shift_left3A_38 : vector<4000x64xi32>
    %bitcast_convert_type3A_40 = tpu.bitcast %shift_left3A_39 : vector<4000x64xi32> -> vector<4000x64xf32>
    %and3A_41 = arith.constant -65536 : i32
    %and3A_42 = vector.broadcast %and3A_41 : i32 to vector<4000x64xi32>
    %and3A_43 = arith.andi %get3A_36, %and3A_42 : vector<4000x64xi32>
    %bitcast_convert_type3A_44 = tpu.bitcast %and3A_43 : vector<4000x64xi32> -> vector<4000x64xf32>
    %concatenate3A_45 = tpu.concatenate %bitcast_convert_type3A_40, %bitcast_convert_type3A_44 in 1 : vector<4000x64xf32>, vector<4000x64xf32> -> vector<4000x128xf32>
    %add3A_46 = arith.addf %concatenate3A, %concatenate3A_45 : vector<4000x128xf32>
    %add3A_47 = arith.addf %add3A, %add3A_46 : vector<4000x128xf32>
    %add3A_48 = vector.broadcast %add3A_25 : vector<1x128xf32> to vector<4000x128xf32>
    %add3A_49 = arith.addf %add3A_47, %add3A_48 : vector<4000x128xf32>
    %max3A = arith.constant 0.000000e+00 : f32
    %max3A_50 = vector.broadcast %max3A : f32 to vector<4000x128xf32>
    %max3A_51 = arith.maximumf %add3A_49, %max3A_50 : vector<4000x128xf32>
    %swap3A = arith.constant 0 : index
    %swap3A_52 = arith.constant 0 : index
    %swap3A_53 = vector.load %arg10[%swap3A, %swap3A_52] : memref<4000x128xf32, #tpu.memory_space<vmem>>, vector<4000x128xf32>
    tpu.vector_store %arg10[%swap3A, %swap3A_52], %max3A_51 {strides = array<i32>} : memref<4000x128xf32, #tpu.memory_space<vmem>>, vector<4000x128xf32>,
    return
  }
  func.func @transform_0(%arg0: i32) -> (i32, i32) {
    %c0_i32 = arith.constant 0 : i32
    %c0_i32_0 = arith.constant 0 : i32
    return %arg0, %c0_i32 : i32, i32
  }
  func.func @transform_1(%arg0: i32) -> (i32, i32) {
    %c0_i32 = arith.constant 0 : i32
    %c0_i32_0 = arith.constant 0 : i32
    return %arg0, %c0_i32 : i32, i32
  }
  func.func @transform_2(%arg0: i32) -> (i32, i32) {
    %c0_i32 = arith.constant 0 : i32
    %c0_i32_0 = arith.constant 0 : i32
    return %arg0, %c0_i32 : i32, i32
  }
  func.func @transform_3(%arg0: i32) -> (i32, i32) {
    %c0_i32 = arith.constant 0 : i32
    %c0_i32_0 = arith.constant 0 : i32
    return %arg0, %c0_i32 : i32, i32
  }
  func.func @transform_4(%arg0: i32) -> (i32, i32) {
    %c0_i32 = arith.constant 0 : i32
    %c0_i32_0 = arith.constant 0 : i32
    %c0_i32_1 = arith.constant 0 : i32
    return %c0_i32, %c0_i32_0 : i32, i32
  }
  func.func @transform_5(%arg0: i32) -> (i32, i32) {
    %c0_i32 = arith.constant 0 : i32
    %c0_i32_0 = arith.constant 0 : i32
    %c0_i32_1 = arith.constant 0 : i32
    return %c0_i32, %c0_i32_0 : i32, i32
  }
  func.func @transform_6(%arg0: i32) -> (i32, i32) {
    %c0_i32 = arith.constant 0 : i32
    %c0_i32_0 = arith.constant 0 : i32
    %c0_i32_1 = arith.constant 0 : i32
    return %c0_i32, %c0_i32_0 : i32, i32
  }
  func.func @transform_7(%arg0: i32) -> (i32, i32) {
    %c0_i32 = arith.constant 0 : i32
    %c0_i32_0 = arith.constant 0 : i32
    %c0_i32_1 = arith.constant 0 : i32
    return %c0_i32, %c0_i32_0 : i32, i32
  }
  func.func @transform_8(%arg0: i32) -> (i32, i32) {
    %c0_i32 = arith.constant 0 : i32
    %c0_i32_0 = arith.constant 0 : i32
    %c0_i32_1 = arith.constant 0 : i32
    return %c0_i32, %c0_i32_0 : i32, i32
  }
  func.func @transform_9(%arg0: i32) -> (i32, i32) {
    %c0_i32 = arith.constant 0 : i32
    %c0_i32_0 = arith.constant 0 : i32
    return %arg0, %c0_i32 : i32, i32
  }
}

</mosaic_0001>

<sc_bundles>
// kernel: kernel.5.cloned.1.call-start
scs
__scs_entry_jumppad:
0x0: {  	(pc) =	sbr.rel $0x88, $3  }
0x1: {  	(tag) =	ssettag $0x0;
	lr =	simm.s32 $0x1  }
0x2: {  	[smem:$0x3F99] =	sst lr;
	_ =	strace $0xD0000000  }
0x3: {  	_ = 	snop  }
0x4: {  	_ = 	snop  }
0x5: {  	_ = 	snop  }
0x6: {  	_ = 	snop  }
0x7: {  	_ = 	snop  }
__scs_overlays_trampoline_lowered:
0x8: {  	[smem:$0x3FA8] =	sst s0  }
0x9: {  	[smem:$0x3FA9] =	sst s1  }
0xa: {  	[smem:$0x3FAA] =	sst s2  }
0xb: {  	[smem:$0x3FAB] =	sst s3  }
0xc: {  	[smem:$0x3FAC] =	sst s4  }
0xd: {  	[smem:$0x3FAD] =	sst s5  }
0xe: {  	[smem:$0x3FAE] =	sst s6  }
0xf: {  	[smem:$0x3FAF] =	sst s7  }
0x10: {  	[smem:$0x3FB0] =	sst s8  }
0x11: {  	[smem:$0x3FB1] =	sst s9;
	s0 =	simm.s32 @!p0 $0x0  }
0x12: {  	s1 =	sld [smem:$0x3F97];
	s0 =	simm.s32 @p0 $0x1  }
0x13: {  	[smem:$0x3FB2] =	sst s0;
	s0 =	simm.s32 @!p1 $0x0  }
0x14: {  	s2 =	sld [smem:$0x3F96];
	s0 =	simm.s32 @p1 $0x1  }
0x15: {  	[smem:$0x3FB3] =	sst s0;
	s0 =	simm.s32 @!p2 $0x0  }
0x16: {  	s3 =	sld [smem:$0x3FDB];
	s0 =	simm.s32 @p2 $0x1  }
0x17: {  	s4 =	simm.s32 $0x1BF5;
	[smem:$0x3FB5] =	sst s0  }
0x18: {  	s0 =	sld [smem:$0x3F98];
	_ =	swait.ge [sflag:s4], $0x0  }
0x19: {  	s7 =	sld [smem:$0x3F99]  }
0x1a: {  	s8 =	sadd.s32 $0xFFFFE003, lr  }
0x1b: {  	s9 =	sadd.s32 $0xFFFFFEF7, lr;
	s5 =	simm.s32 $0xFFFFFFFF;
	p2 =	slt.u32 s8, $0xFFFFF086  }
0x1c: {  	p1 =	slt.u32 s9, $0xF7A;
	s5 =	simm.s32 @!p2 $0x0  }
0x1d: {  	s5 =	simm.s32 @p1 $0x1;
	p0 =	seq.s32 s7, s2  }
0x1e: {  	s7 =	smul.u32 @!p0 $0xF7A, s2;
	p2 =	seq.s32 @!p0 s5, $0x0  }
0x1f: {  	s9 =	smul.u32 $0xF7A, s1;
	s8 =	simm.s32 @!p0 $0x1BF5;
	p2 =	por !p2, p0  }
0x20: {  	[sflag:s8] =	ssyncset.s32 @!p0 $0xFFFFF086;
	s6 =	sadd.s32 @!p0 s3, s7;
	s7 =	simm.s32 @!p0 $0x108  }
0x21: {  	s3 =	sadd.s32 s3, s9;
	s6 =	sadd.s32 @!p0 $0x88, s6;
	s7 =	simm.s32 @p2 $0x1082  }
0x22: {  	[simem:s7], [sflag:s8] =	dma.local @!p0 [hbm:s6], $0xF7A  }
0x23: {  	s9 =	sor.u32 $0xD0000000, s2;
	s6 =	simm.s32 $0x108;
	_ =	swait.ge @!p0 [sflag:s8], $0x0  }
0x24: {  	s3 =	sadd.s32 $0x88, s3;
	s6 =	simm.s32 @!p1 $0x1082;
	[sflag:s4] =	ssyncset.s32 $0xFFFFF086  }
0x25: {  	[simem:s6], [sflag:s4] =	dma.local [hbm:s3], $0xF7A  }
0x26: {  	[smem:$0x3F99] =	sst s1;
	(tag) =	ssettag s2;
	_ =	strace s9  }
0x27: {  	s1 =	sld [smem:$0x3FA9]  }
0x28: {  	s2 =	sld [smem:$0x3FAA]  }
0x29: {  	s4 =	sld [smem:$0x3FAC]  }
0x2a: {  	p0 =	seq.s32 s5, $0x0;
	s5 =	sld [smem:$0x3FAD]  }
0x2b: {  	s6 =	sld [smem:$0x3FAE]  }
0x2c: {  	s7 =	sld [smem:$0x3FAF]  }
0x2d: {  	s3 =	simm.s32 $0x108;
	s8 =	sld [smem:$0x3FB0]  }
0x2e: {  	s3 =	simm.s32 @!p0 $0x1082;
	s9 =	sld [smem:$0x3FB1]  }
0x2f: {  	lr =	sadd.s32 s0, s3;
	s0 =	sld [smem:$0x3FA8]  }
0x30: {  	s3 =	sld [smem:$0x3FAB]  }
0x31: {  	[smem:$0x3FB4] =	sst s10  }
0x32: {  	s10 =	sld [smem:$0x3FB2];
	_ =	sdelay $0x3  }
0x33: {  	p0 =	seq.s32 s10, $0x1;
	s10 =	sld [smem:$0x3FB4];
	_ =	sdelay $0x3  }
0x34: {  	[smem:$0x3FB4] =	sst s10  }
0x35: {  	s10 =	sld [smem:$0x3FB3];
	_ =	sdelay $0x3  }
0x36: {  	p1 =	seq.s32 s10, $0x1;
	s10 =	sld [smem:$0x3FB4];
	_ =	sdelay $0x3  }
0x37: {  	[smem:$0x3FB4] =	sst s10  }
0x38: {  	s10 =	sld [smem:$0x3FB5]  }
0x39: {  	_ = 	snop;
	(pc) =	sbr.ind lr, $3  }
0x3a: {  	_ = 	snop  }
0x3b: {  	_ = 	snop  }
0x3c: {  	p2 =	seq.s32 s10, $0x1;
	s10 =	sld [smem:$0x3FB4]  }
0x3d: {  	_ =	shalt  }
0x3e: {  	_ =	shalt  }
0x3f: {  	_ =	shalt  }
0x40: {  	_ =	shalt  }
0x41: {  	_ =	shalt  }
0x42: {  	_ =	shalt  }
0x43: {  	_ =	shalt  }
0x44: {  	_ =	shalt  }
0x45: {  	_ =	shalt  }
0x46: {  	_ =	shalt  }
0x47: {  	_ =	shalt  }
0x48: {  	_ =	shalt  }
0x49: {  	_ =	shalt  }
0x4a: {  	_ =	shalt  }
0x4b: {  	_ =	shalt  }
0x4c: {  	_ =	shalt  }
0x4d: {  	_ =	shalt  }
0x4e: {  	_ =	shalt  }
0x4f: {  	_ =	shalt  }
0x50: {  	_ =	shalt  }
0x51: {  	_ =	shalt  }
0x52: {  	_ =	shalt  }
0x53: {  	_ =	shalt  }
0x54: {  	_ =	shalt  }
0x55: {  	_ =	shalt  }
0x56: {  	_ =	shalt  }
0x57: {  	_ =	shalt  }
0x58: {  	_ =	shalt  }
0x59: {  	_ =	shalt  }
0x5a: {  	_ =	shalt  }
0x5b: {  	_ =	shalt  }
0x5c: {  	_ =	shalt  }
0x5d: {  	_ =	shalt  }
0x5e: {  	_ =	shalt  }
0x5f: {  	_ =	shalt  }
0x60: {  	_ =	shalt  }
0x61: {  	_ =	shalt  }
0x62: {  	_ =	shalt  }
0x63: {  	_ =	shalt  }
0x64: {  	_ =	shalt  }
0x65: {  	_ =	shalt  }
0x66: {  	_ =	shalt  }
0x67: {  	_ =	shalt  }
0x68: {  	_ =	shalt  }
0x69: {  	_ =	shalt  }
0x6a: {  	_ =	shalt  }
0x6b: {  	_ =	shalt  }
0x6c: {  	_ =	shalt  }
0x6d: {  	_ =	shalt  }
0x6e: {  	_ =	shalt  }
0x6f: {  	_ =	shalt  }
0x70: {  	_ =	shalt  }
0x71: {  	_ =	shalt  }
0x72: {  	_ =	shalt  }
0x73: {  	_ =	shalt  }
0x74: {  	_ =	shalt  }
0x75: {  	_ =	shalt  }
0x76: {  	_ =	shalt  }
0x77: {  	_ =	shalt  }
0x78: {  	_ =	shalt  }
0x79: {  	_ =	shalt  }
0x7a: {  	_ =	shalt  }
0x7b: {  	_ =	shalt  }
0x7c: {  	_ =	shalt  }
0x7d: {  	_ =	shalt  }
0x7e: {  	_ =	shalt  }
0x7f: {  	_ =	shalt  }
0x80: {  	_ =	shalt  }
0x81: {  	_ =	shalt  }
0x82: {  	_ =	shalt  }
0x83: {  	_ =	shalt  }
0x84: {  	_ =	shalt  }
0x85: {  	_ =	shalt  }
0x86: {  	_ =	shalt  }
0x87: {  	_ =	shalt  }
.Lfunc_end0:
.L_simem_size_0:
called_computation_lowered:
.L_overlay_start_0:
0x88: {  	s2 =	sld [smem:$0x3FD9]  }
0x89: {  	s3 =	sld [smem:$0x3FFE];
	_ =	sdelay $0x1  }
0x8a: {  	s1 =	srdreg.scid  }
0x8b: {  	s0 =	sand.u32 $0x1, s1  }
0x8c: {  	s17 =	sshll.u32 s0, $0xA;
	s2 =	sadd.s32 s3, s2  }
0x8d: {  	s2 =	sadd.s32 s2, s17  }
0x8e: {  	[smem:$0x3FC0] =	sst s2  }
0x8f: {  	_ = 	snop  }
0x90: {  	s2 =	sld [smem:$0x3FD0];
	(tm) =	ssettm $0x1  }
0x91: {  	s18 =	sld [smem:$0x3FFB];
	_ =	sdelay $0x3  }
0x92: {  	_ =	strace s18  }
0x93: {  	s3 =	sld [smem:$0x3FFC];
	_ =	sdelay $0x3  }
0x94: {  	_ =	strace s3  }
0x95: {  	s3 =	sld [smem:$0x3FFD];
	_ =	sdelay $0x3  }
0x96: {  	_ =	strace s3  }
0x97: {  	_ =	strace $0x8FFFFFFF  }
0x98: {  	s19 =	sld [smem:$0x3FDB];
	_ =	sdelay $0x1  }
0x99: {  	s4 =	simm.s32 $_scs_section_size  }
0x9a: {  	s5 =	simm.s32 $_size__tile_overlayer_lowered;
	s6 =	simm.s32 $_tile_overlayer_lowered  }
0x9b: {  	s22 =	simm.s32 $0x1BFF;
	s21 =	sshll.u32 s6, $0x1;
	s3 =	sadd.s32 s4, s19  }
0x9c: {  	s7 =	simm.s32 $0x0;
	s20 =	sshll.u32 s5, $0x1;
	s5 =	sadd.s32 s21, s3  }
0x9d: {  	[timem:s7], [sflag:s22] =	dma.local [hbm:s5], s20  }
0x9e: {  	_ =	swait.ge [sflag:s22], s20  }
0x9f: {  	s4 =	ssub.s32 $0x0, s20;
	[sflag:s22] =	ssyncset.done $0x0  }
0xa0: {  	[sflag:s22] =	ssyncadd.s32 s4;
	_ =	sdelay $0x1  }
0xa1: {  	s23 =	simm.s32 $0x1B8B  }
0xa2: {  	_ =	swait.ge [sflag:s23], $0x1  }
0xa3: {  	[sflag:s23] =	ssyncset.done $0x0  }
0xa4: {  	s25 =	simm.s32 $0x1B8E;
	s24 =	sld [smem:$0x3FFE];
	[sflag:s23] =	ssyncadd.s32 $0xFFFFFFFF  }
0xa5: {  	s26 =	simm.s32 $execute0_lowered;
	[smem:$0x3FD2] =	sst s25  }
0xa6: {  	s5 =	sshll.u32 s26, $0x1;
	_ =	strace $0x80000046;
	[dreg:$0x1] =	wrdreg $0xFFFFFFFF  }
0xa7: {  	s28 =	simm.s32 $_size_execute0_lowered;
	s3 =	sadd.s32 s3, s5;
	[dreg:$0x0] =	wrdreg $0x0  }
0xa8: {  	s5 =	sshll.u32 s28, $0x1;
	[dreg:$0x2] =	wrdreg s3  }
0xa9: {  	[dreg:$0x3] =	wrdreg s5  }
0xaa: {  	[dreg:$0x4] =	wrdreg $0xC0  }
0xab: {  	_ =	task [dreg:s7], $0x5FFFF  }
0xac: {  	[dreg:$0x1] =	wrdreg $0xFFFFFFFF  }
0xad: {  	[dreg:$0x0] =	wrdreg $0x60  }
0xae: {  	[dreg:$0x2] =	wrdreg s24  }
0xaf: {  	[dreg:$0x3] =	wrdreg s2  }
0xb0: {  	[dreg:$0x4] =	wrdreg $0x9  }
0xb1: {  	_ =	task.clear_ibuf [dreg:s7], $0x5FFFF;
	_ =	strace $0x90000046  }
0xb2: {  	s29 =	simm.s32 $0x9;
	_ =	strace $0x80000048  }
0xb3: {  	_ =	swait.ge [sflag:s29], $0x1  }
0xb4: {  	[sflag:s29] =	ssyncadd.s32 $0xFFFFFFFF  }
0xb5: {  	_ =	strace $0x90000048  }
0xb6: {  	_ =	sfence  }
0xb7: {  	s30 =	sld [smem:$0x0];
	_ =	sdelay $0x2  }
0xb8: {  	s31 =	sshll.u32 s1, $0xD;
	s1 =	sshrl.u32 s1, $0x2  }
0xb9: {  	s3 =	sand.u32 $0x4000, s31;
	s1 =	sadd.s32 s1, s30  }
0xba: {  	s0 =	sor.u32 s3, s0;
	s1 =	sshll.u32 s1, $0x11  }
0xbb: {  	s0 =	sor.u32 s1, s0  }
0xbc: {  	s0 =	sadd.s32 $0x8F2B, s0  }
0xbd: {  	[sflag:s0] =	ssyncadd.remote.s32 $0x1  }
0xbe: {  	_ =	sfence.sel $0xFFFF  }
0xbf: {  	[dreg:$0x0] =	wrdreg $0xFFFFFFFF;
	(pc) =	sbr.abs _section_cstart, $3  }
0xc0: {  	[dreg:$0x1] =	wrdreg $0xFFFFFFFF  }
0xc1: {  	_ =	task.clear_ibuf [dreg:s7], $0x2FFFF;
	_ =	strace $0x9FFFFFFF  }
0xc2: {  	(tm) =	ssettm $0x7FFFFFFF  }
0xc3: {  	_ =	shalt  }
tec
execute0_lowered:
.L_overlay_start_1:
0x0: {  	(tag) =	ssettag $0x1  }
0x1: {  	s0 =	srdreg.scid;
	s1 =	rddreg [dreg:$0x0]  }
0x2: {  	s13 =	stileid.u32;
	s5 =	rddreg [dreg:$0x1]  }
0x3: {  	s28 =	simm.s32 $0x7620;
	s30 =	simm.s32 $0xDA20;
	s31 =	simm.s32 $0x1  }
0x4: {  	s29 =	simm.s32 $0x10220;
	s19 =	simm.s32 $0x8;
	s7 =	smul.u32 $0x4E20, s13  }
0x5: {  	s0 =	sand.u32 $0x1, s0;
	s2 =	sshll.u32 s13, $0x1;
	s15 =	smul.u32 $0x27100, s13  }
0x6: {  	s18 =	simm.s32 $0x0;
	s3 =	sor.u32 s0, s2;
	s8 =	smul.u32 $0x2710, s0  }
0x7: {  	s2 =	simm.s32 $0x0;
	s9 =	ssub.s32 $0x2, s0;
	s0 =	smul.u32 $0x13880, s0  }
0x8: {  	s4 =	sadd.s32 $0x16800, s1;
	s6 =	smul.u32 $0x2710, s3;
	[smem:$0x7FF] =	sst s2  }
0x9: {  	s3 =	sadd.s32 $0x2A200, s1;
	s10 =	sshrl.u32 s9, $0x1;
	_ =	strace $0x80000047  }
0xa: {  	s7 =	sadd.s32 s8, s7;
	s20 =	ssub.s32 s9, s10;
	s6 =	sshrl.u32 s6, $0x3  }
0xb: {  	s7 =	sshll.u32 s7, $0x3;
	s8 =	smax.u32 s20, $0x1;
	s20 =	simm.s32 $0x50  }
0xc: {  	s6 =	sadd.s32 s6, s1;
	s1 =	sadd.s32 $0x3DC00, s1;
	s22 =	sadd.s32 $0xA00, s7  }
0xd: {  	[dreg:$0x5] =	wrdreg s8;
	s11 =	sadd.s32 $0x780, s7;
	s24 =	sadd.s32 $0x500, s7  }
0xe: {  	s25 =	sadd.s32 $0x280, s7;
	s7 =	simm.s32 $0x5;
	s21 =	sadd.s32 $0xC200, s6  }
0xf: {  	s6 =	sadd.s32 $0x2400, s6;
	s23 =	sadd.s32 s22, s5;
	s10 =	sadd.s32 s11, s5  }
0x10: {  	s11 =	sadd.s32 s11, s1;
	s12 =	sadd.s32 s24, s5;
	s13 =	sadd.s32 s24, s1  }
0x11: {  	s14 =	sadd.s32 s25, s5;
	s26 =	sadd.s32 s15, s1;
	[dreg:$0x3] =	wrdreg s21  }
.Ltmp0:
0x12: {  	s5 =	sadd.s32 s15, s5;
	[dreg:$0x4] =	wrdreg s6;
	(pc) =	sbr.rel .LBB2_1-.Ltmp0, $4  }
0x13: {  	s15 =	sadd.s32 s25, s1;
	s24 =	simm.s32 $0x2;
	[dreg:$0x6] =	wrdreg s23  }
0x14: {  	s6 =	sadd.s32 s22, s1;
	s16 =	sadd.s32 s0, s26;
	s17 =	sadd.s32 s0, s5  }
0x15: {  	s1 =	simm.s32 $0x8A20;
	s0 =	simm.s32 $0xEE20;
	s26 =	simm.s32 $0x9E20  }
0x16: {  	s5 =	simm.s32 $0x3;
	[dreg:$0x7] =	wrdreg s6;
	s6 =	simm.s32 $0x4  }
.LBB2_4:
0x17: {  	s8 =	simm.s32 $0x6  }
0x18: {  	_ =	swait.ge [sflag:s8], $0x1400  }
0x19: {  	[sflag:s8] =	ssyncset.done $0x0  }
0x1a: {  	[sflag:s8] =	ssyncadd.s32 $0xFFFFEC00  }
0x1b: {  	_ =	swait.ge [sflag:s8], $0x1400  }
0x1c: {  	[sflag:s8] =	ssyncset.done $0x0  }
0x1d: {  	s22 =	simm.s32 $0x7;
	[sflag:s8] =	ssyncadd.s32 $0xFFFFEC00  }
0x1e: {  	_ =	swait.ge [sflag:s22], $0x1400  }
0x1f: {  	[sflag:s22] =	ssyncset.done $0x0  }
0x20: {  	[sflag:s22] =	ssyncadd.s32 $0xFFFFEC00  }
0x21: {  	_ =	swait.ge [sflag:s22], $0x1400  }
0x22: {  	[sflag:s22] =	ssyncset.done $0x0  }
0x23: {  	[sflag:s22] =	ssyncadd.s32 $0xFFFFEC00  }
0x24: {  	_ =	swait.ge [sflag:s19], $0x1400  }
0x25: {  	[sflag:s19] =	ssyncset.done $0x0  }
0x26: {  	[sflag:s19] =	ssyncadd.s32 $0xFFFFEC00  }
0x27: {  	_ =	swait.ge [sflag:s19], $0x1400  }
0x28: {  	[sflag:s19] =	ssyncset.done $0x0  }
0x29: {  	s23 =	simm.s32 $0x9;
	[sflag:s19] =	ssyncadd.s32 $0xFFFFEC00  }
0x2a: {  	_ =	swait.ge [sflag:s23], $0x1400  }
0x2b: {  	[sflag:s23] =	ssyncset.done $0x0  }
0x2c: {  	[sflag:s23] =	ssyncadd.s32 $0xFFFFEC00  }
0x2d: {  	_ =	swait.ge [sflag:s23], $0x1400  }
0x2e: {  	[sflag:s23] =	ssyncset.done $0x0  }
0x2f: {  	s9 =	simm.s32 $0xA;
	[sflag:s23] =	ssyncadd.s32 $0xFFFFEC00  }
0x30: {  	_ =	swait.ge [sflag:s9], $0x1400  }
0x31: {  	[sflag:s9] =	ssyncset.done $0x0  }
0x32: {  	[sflag:s9] =	ssyncadd.s32 $0xFFFFEC00  }
0x33: {  	_ =	swait.ge [sflag:s9], $0x1400  }
0x34: {  	s18 =	rddreg [dreg:$0x8]  }
0x35: {  	s25 =	rddreg [dreg:$0x5];
	s18 =	sadd.s32 $0x1, s18  }
0x36: {  	p0 =	sne.s32 s18, s25  }
.Ltmp1:
0x37: {  	_ = 	snop;
	(pc) =	sbr.rel @!p0 .LBB2_5-.Ltmp1, $3  }
0x38: {  	_ =	sdelay $0x1  }
0x39: {  	[sflag:s9] =	ssyncset.done $0x0  }
0x3a: {  	[sflag:s9] =	ssyncadd.s32 $0xFFFFEC00  }
.LBB2_1:
0x3b: {  	[dreg:$0x8] =	wrdreg s18  }
0x3c: {  	s8 =	rddreg [dreg:$0x3];
	s9 =	simm.s32 $0xB  }
0x3d: {  	[tilespmem:s2], [sflag:$0xB] =	stream.linear.gather [hbm4b:s8+s2], $0x2710, $0x38;
	[tilespmem:$0x11620] =	vst v63  }
0x3e: {  	_ =	swait.ge [sflag:s9], $0x2710  }
0x3f: {  	[sflag:s9] =	ssyncset.done $0x0  }
0x40: {  	s23 =	simm.s32 $0x2710;
	s22 =	rddreg [dreg:$0x4];
	[sflag:s9] =	ssyncadd.s32 $0xFFFFD8F0  }
0x41: {  	[tilespmem:s23], [sflag:$0xB] =	stream.linear.gather [hbm4b:s22+s2], $0x2710, $0x38;
	[tilespmem:$0x11620] =	vst v63  }
0x42: {  	_ =	swait.ge [sflag:s9], $0x2710  }
0x43: {  	[sflag:s9] =	ssyncset.done $0x0  }
0x44: {  	s25 =	simm.s32 $0x4E20;
	[sflag:s9] =	ssyncadd.s32 $0xFFFFD8F0  }
0x45: {  	[tilespmem:s25], [sflag:$0x1] =	stream.indirect.gather [hbm4b:s3+s20], $0x40, s2, s20, $0xb8;
	[tilespmem:$0x11620] =	vst v63  }
0x46: {  	s9 =	simm.s32 $0xB220  }
0x47: {  	[tilespmem:s9], [sflag:$0x1] =	stream.indirect.gather [hbm4b:s4+s20], $0x40, s23, s20, $0xb8;
	[tilespmem:$0x11620] =	vst v63  }
0x48: {  	s18 =	simm.s32 $0x6220  }
0x49: {  	[tilespmem:s18], [sflag:$0x2] =	stream.indirect.gather [hbm4b:s3+s20], $0x40, s20, s20, $0xb8;
	[tilespmem:$0x11620] =	vst v63  }
0x4a: {  	s21 =	simm.s32 $0x2760;
	s22 =	simm.s32 $0xC620  }
0x4b: {  	[tilespmem:s22], [sflag:$0x2] =	stream.indirect.gather [hbm4b:s4+s20], $0x40, s21, s20, $0xb8;
	[tilespmem:$0x11620] =	vst v63  }
0x4c: {  	s23 =	simm.s32 $0xA0  }
0x4d: {  	[tilespmem:s28], [sflag:$0x3] =	stream.indirect.gather [hbm4b:s3+s20], $0x40, s23, s20, $0xb8;
	[tilespmem:$0x11620] =	vst v63  }
0x4e: {  	s25 =	simm.s32 $0x27B0;
	s18 =	simm.s32 $0x0;
	s21 =	simm.s32 $0x0  }
0x4f: {  	[tilespmem:s30], [sflag:$0x3] =	stream.indirect.gather [hbm4b:s4+s20], $0x40, s25, s20, $0xb8;
	[tilespmem:$0x11620] =	vst v63  }
.LBB2_2:
0x50: {  	_ =	swait.ge [sflag:s31], $0x1400  }
0x51: {  	[sflag:s31] =	ssyncset.done $0x0  }
0x52: {  	[sflag:s31] =	ssyncadd.s32 $0xFFFFEC00  }
0x53: {  	_ =	swait.ge [sflag:s31], $0x1400  }
0x54: {  	[sflag:s31] =	ssyncset.done $0x0  }
0x55: {  	s22 =	sadd.s32 s18, s17;
	s8 =	simm.s32 $0x4E20;
	[sflag:s31] =	ssyncadd.s32 $0xFFFFEC00  }
0x56: {  	[hbm4b:s22+s2] =	stream.linear.scatter [tilespmem:s8], [sflag:$0x6], $0x1400, $0x38;
	[tilespmem:$0x11620] =	vst v63  }
0x57: {  	s9 =	sadd.s32 s18, s16;
	s23 =	simm.s32 $0xB220;
	p0 =	seq.s32 s21, $0x0  }
0x58: {  	[hbm4b:s9+s2] =	stream.linear.scatter [tilespmem:s23], [sflag:$0x6], $0x1400, $0x38;
	[tilespmem:$0x11620] =	vst v63  }
0x59: {  	s23 =	simm.s32 @!p0 $0x9  }
0x5a: {  	_ =	swait.ge @!p0 [sflag:s23], $0x1400  }
0x5b: {  	[sflag:s23] =	ssyncset.done @!p0 $0x0  }
0x5c: {  	[sflag:s23] =	ssyncadd.s32 @!p0 $0xFFFFEC00  }
0x5d: {  	_ =	swait.ge @!p0 [sflag:s23], $0x1400  }
0x5e: {  	s22 =	sshra.s32 s21, $0x2;
	[sflag:s23] =	ssyncset.done @!p0 $0x0  }
0x5f: {  	s25 =	sadd.s32 $0xF0, s22;
	[sflag:s23] =	ssyncadd.s32 @!p0 $0xFFFFEC00  }
0x60: {  	[tilespmem:s1], [sflag:$0x4] =	stream.indirect.gather [hbm4b:s3+s20], $0x40, s25, s20, $0xb8;
	[tilespmem:$0x11620] =	vst v63  }
0x61: {  	s8 =	sadd.s32 $0x2800, s22  }
0x62: {  	[tilespmem:s0], [sflag:$0x4] =	stream.indirect.gather [hbm4b:s4+s20], $0x40, s8, s20, $0xb8;
	[tilespmem:$0x11620] =	vst v63  }
0x63: {  	_ =	swait.ge [sflag:s24], $0x1400  }
0x64: {  	[sflag:s24] =	ssyncset.done $0x0  }
0x65: {  	[sflag:s24] =	ssyncadd.s32 $0xFFFFEC00  }
0x66: {  	_ =	swait.ge [sflag:s24], $0x1400  }
0x67: {  	[sflag:s24] =	ssyncset.done $0x0  }
0x68: {  	s9 =	sadd.s32 s18, s14;
	s25 =	simm.s32 $0x6220;
	[sflag:s24] =	ssyncadd.s32 $0xFFFFEC00  }
0x69: {  	[hbm4b:s9+s2] =	stream.linear.scatter [tilespmem:s25], [sflag:$0x7], $0x1400, $0x38;
	[tilespmem:$0x11620] =	vst v63  }
0x6a: {  	s23 =	simm.s32 @!p0 $0xA;
	s9 =	sadd.s32 s18, s15;
	s25 =	simm.s32 $0xC620  }
0x6b: {  	[hbm4b:s9+s2] =	stream.linear.scatter [tilespmem:s25], [sflag:$0x7], $0x1400, $0x38;
	[tilespmem:$0x11620] =	vst v63  }
0x6c: {  	_ =	swait.ge @!p0 [sflag:s23], $0x1400  }
0x6d: {  	[sflag:s23] =	ssyncset.done @!p0 $0x0  }
0x6e: {  	[sflag:s23] =	ssyncadd.s32 @!p0 $0xFFFFEC00  }
0x6f: {  	_ =	swait.ge @!p0 [sflag:s23], $0x1400  }
0x70: {  	[sflag:s23] =	ssyncset.done @!p0 $0x0  }
0x71: {  	s9 =	sadd.s32 $0x140, s22;
	[sflag:s23] =	ssyncadd.s32 @!p0 $0xFFFFEC00  }
0x72: {  	[tilespmem:s26], [sflag:$0x5] =	stream.indirect.gather [hbm4b:s3+s20], $0x40, s9, s20, $0xb8;
	[tilespmem:$0x11620] =	vst v63  }
0x73: {  	s25 =	sadd.s32 $0x2850, s22  }
0x74: {  	[tilespmem:s29], [sflag:$0x5] =	stream.indirect.gather [hbm4b:s4+s20], $0x40, s25, s20, $0xb8;
	[tilespmem:$0x11620] =	vst v63  }
0x75: {  	_ =	swait.ge [sflag:s5], $0x1400  }
0x76: {  	[sflag:s5] =	ssyncset.done $0x0  }
0x77: {  	[sflag:s5] =	ssyncadd.s32 $0xFFFFEC00  }
0x78: {  	_ =	swait.ge [sflag:s5], $0x1400  }
0x79: {  	[sflag:s5] =	ssyncset.done $0x0  }
0x7a: {  	s8 =	sadd.s32 s18, s12;
	p0 =	seq.s32 s21, $0x9600;
	[sflag:s5] =	ssyncadd.s32 $0xFFFFEC00  }
0x7b: {  	[hbm4b:s8+s2] =	stream.linear.scatter [tilespmem:s28], [sflag:$0x8], $0x1400, $0x38;
	[tilespmem:$0x11620] =	vst v63  }
0x7c: {  	s9 =	sadd.s32 s18, s13;
	s23 =	simm.s32 @!p0 $0x6  }
0x7d: {  	[hbm4b:s9+s2] =	stream.linear.scatter [tilespmem:s30], [sflag:$0x8], $0x1400, $0x38;
	[tilespmem:$0x11620] =	vst v63  }
0x7e: {  	_ =	swait.ge @!p0 [sflag:s23], $0x1400  }
0x7f: {  	[sflag:s23] =	ssyncset.done @!p0 $0x0  }
0x80: {  	[sflag:s23] =	ssyncadd.s32 @!p0 $0xFFFFEC00  }
0x81: {  	_ =	swait.ge @!p0 [sflag:s23], $0x1400  }
0x82: {  	[sflag:s23] =	ssyncset.done @!p0 $0x0  }
0x83: {  	[sflag:s23] =	ssyncadd.s32 @!p0 $0xFFFFEC00;
	s23 =	sshra.s32 @!p0 s21, $0x2  }
0x84: {  	s8 =	simm.s32 @!p0 $0x50;
	s9 =	simm.s32 @!p0 $0x4E20;
	s25 =	sadd.s32 @!p0 $0x190, s23  }
0x85: {  	[tilespmem:s9], [sflag:$0x1] =	stream.indirect.gather @!p0 [hbm4b:s3+s8], $0x40, s25, s8, $0xb8;
	[tilespmem:$0x11620] =	vst v63  }
0x86: {  	s9 =	sadd.s32 @!p0 $0x28A0, s23;
	s25 =	simm.s32 @!p0 $0xB220  }
0x87: {  	[tilespmem:s25], [sflag:$0x1] =	stream.indirect.gather @!p0 [hbm4b:s4+s8], $0x40, s9, s8, $0xb8;
	[tilespmem:$0x11620] =	vst v63  }
0x88: {  	_ =	swait.ge [sflag:s6], $0x1400  }
0x89: {  	[sflag:s6] =	ssyncset.done $0x0  }
0x8a: {  	[sflag:s6] =	ssyncadd.s32 $0xFFFFEC00  }
0x8b: {  	_ =	swait.ge [sflag:s6], $0x1400  }
0x8c: {  	[sflag:s6] =	ssyncset.done $0x0  }
0x8d: {  	s25 =	sadd.s32 s18, s10;
	[sflag:s6] =	ssyncadd.s32 $0xFFFFEC00  }
0x8e: {  	[hbm4b:s25+s2] =	stream.linear.scatter [tilespmem:s1], [sflag:$0x9], $0x1400, $0x38;
	[tilespmem:$0x11620] =	vst v63  }
0x8f: {  	s9 =	simm.s32 @!p0 $0x7;
	s25 =	sadd.s32 s18, s11  }
0x90: {  	[hbm4b:s25+s2] =	stream.linear.scatter [tilespmem:s0], [sflag:$0x9], $0x1400, $0x38;
	[tilespmem:$0x11620] =	vst v63  }
0x91: {  	_ =	swait.ge @!p0 [sflag:s9], $0x1400  }
0x92: {  	[sflag:s9] =	ssyncset.done @!p0 $0x0  }
0x93: {  	[sflag:s9] =	ssyncadd.s32 @!p0 $0xFFFFEC00  }
0x94: {  	_ =	swait.ge @!p0 [sflag:s9], $0x1400  }
0x95: {  	[sflag:s9] =	ssyncset.done @!p0 $0x0  }
0x96: {  	s25 =	simm.s32 @!p0 $0x6220;
	[sflag:s9] =	ssyncadd.s32 @!p0 $0xFFFFEC00;
	s9 =	sadd.s32 @!p0 $0x1E0, s23  }
0x97: {  	[tilespmem:s25], [sflag:$0x2] =	stream.indirect.gather @!p0 [hbm4b:s3+s8], $0x40, s9, s8, $0xb8;
	[tilespmem:$0x11620] =	vst v63  }
0x98: {  	s9 =	sadd.s32 @!p0 $0x28F0, s23;
	s23 =	simm.s32 @!p0 $0xC620  }
0x99: {  	[tilespmem:s23], [sflag:$0x2] =	stream.indirect.gather @!p0 [hbm4b:s4+s8], $0x40, s9, s8, $0xb8;
	[tilespmem:$0x11620] =	vst v63  }
0x9a: {  	_ =	swait.ge [sflag:s7], $0x1400  }
0x9b: {  	[sflag:s7] =	ssyncset.done $0x0  }
0x9c: {  	[sflag:s7] =	ssyncadd.s32 $0xFFFFEC00  }
0x9d: {  	_ =	swait.ge [sflag:s7], $0x1400  }
.Ltmp2:
0x9e: {  	[sflag:s7] =	ssyncset.done $0x0;
	s23 =	rddreg [dreg:$0x6];
	(pc) =	sbr.rel @p0 .LBB2_4-.Ltmp2, $4  }
0x9f: {  	s25 =	rddreg [dreg:$0x7];
	[sflag:s7] =	ssyncadd.s32 $0xFFFFEC00;
	s8 =	sadd.s32 s18, s23  }
0xa0: {  	[hbm4b:s8+s2] =	stream.linear.scatter [tilespmem:s26], [sflag:$0xA], $0x1400, $0x38;
	[tilespmem:$0x11620] =	vst v63  }
0xa1: {  	s8 =	sadd.s32 s18, s25  }
0xa2: {  	[hbm4b:s8+s2] =	stream.linear.scatter [tilespmem:s29], [sflag:$0xA], $0x1400, $0x38;
	[tilespmem:$0x11620] =	vst v63  }
0xa3: {  	_ =	swait.ge [sflag:s19], $0x1400  }
0xa4: {  	[sflag:s19] =	ssyncset.done $0x0  }
0xa5: {  	[sflag:s19] =	ssyncadd.s32 $0xFFFFEC00  }
0xa6: {  	_ =	swait.ge [sflag:s19], $0x1400  }
.Ltmp3:
0xa7: {  	[sflag:s19] =	ssyncset.done $0x0;
	(pc) =	sbr.rel .LBB2_2-.Ltmp3, $4  }
0xa8: {  	s8 =	sadd.s32 $0x230, s22;
	[sflag:s19] =	ssyncadd.s32 $0xFFFFEC00  }
0xa9: {  	[tilespmem:s28], [sflag:$0x3] =	stream.indirect.gather [hbm4b:s3+s20], $0x40, s8, s20, $0xb8;
	[tilespmem:$0x11620] =	vst v63  }
0xaa: {  	s25 =	sadd.s32 $0x2940, s22;
	s21 =	sadd.s32 $0x640, s21;
	s18 =	sadd.s32 $0xC80, s18  }
0xab: {  	[tilespmem:s30], [sflag:$0x3] =	stream.indirect.gather [hbm4b:s4+s20], $0x40, s25, s20, $0xb8;
	[tilespmem:$0x11620] =	vst v63  }
.LBB2_5:
0xac: {  	_ =	sfence.sel $0x180000  }
0xad: {  	[bflag:$0x0] =	sbarrier.arrive $0xFFFF  }
0xae: {  	_ =	strace $0x90000047  }
0xaf: {  	s0 =	stileid.u32;
	[bflag:$0x2] =	sbarrier.arrive $0xFFFF  }
0xb0: {  	p0 =	sne.s32 s0, $0x0;
	s0 =	rddreg [dreg:$0x2]  }
0xb1: {  	s0 =	sadd.s32 @!p0 $0x100000, s0  }
0xb2: {  	[sflag:s0] =	ssyncadd.tile.s32 @!p0 $0x1;
	_ =	shalt  }
.Lfunc_end2:
_tile_overlayer_lowered:
.L_overlay_start_2:
0xb3: {  	(tag) =	ssettag $0x2  }
0xb4: {  	s0 =	rddreg [dreg:$0x0];
	s2 =	stileid.u32  }
0xb5: {  	s1 =	rddreg [dreg:$0x1];
	p0 =	sne.s32 s2, $0x0  }
0xb6: {  	s3 =	rddreg [dreg:$0x2];
	[bflag:$0x3] =	sbarrier.arrive $0xFFFF;
	s2 =	simm.s32 @!p0 $0x1C0B  }
0xb7: {  	[timem:s3], [sflag:s2] =	dma.local @!p0 [hbm:s0], s1  }
0xb8: {  	s0 =	simm.s32 @!p0 $0xB  }
0xb9: {  	_ =	swait.ge @!p0 [sflag:s0], s1  }
0xba: {  	s1 =	ssub.s32 @!p0 $0x0, s1;
	[sflag:s0] =	ssyncset.done @!p0 $0x0  }
0xbb: {  	[sflag:s0] =	ssyncadd.s32 @!p0 s1  }
0xbc: {  	[bflag:$0x3] =	sbarrier.arrive $0xFFFF  }
0xbd: {  	_ =	shalt  }

</sc_bundles>
